<compile_context>
chip_gen: v7x
topology: tpu7x:2x2x1
jax: 0.10.2.dev20260603
libtpu: 0.0.44.dev20260713+nightly
codegen_flags: <defaults>
</compile_context>

<pallas_src>
import functools

import jax
import jax.numpy as jnp
from jax import lax
from jax.experimental import pallas as pl
from jax.experimental.pallas import tpu as pltpu
from jax.experimental.pallas import tpu_sc as plsc

N = 10000
E = 320000
F_IN = 128
G = 128
F1 = 16
F2 = 8
NC = 2
NS = 16
NW = NC * NS
EW = E // NW
NPAD = 10240
SLC = NPAD // NS

_MESH = plsc.VectorSubcoreMesh(core_axis_name="c", subcore_axis_name="s",
                               num_cores=NC, num_subcores=NS)
_SC_PARAMS = pltpu.CompilerParams(use_tc_tiling_on_sc=False)


def _deg_body(dst_hbm, ones_hbm, zeros_hbm, out_hbm, idx_v, ones_v, deg_sh):
    c = lax.axis_index("c")
    s = lax.axis_index("s")
    base = (s * NC + c) * EW
    pltpu.sync_copy(ones_hbm, ones_v)
    pltpu.sync_copy(zeros_hbm, deg_sh.at[pl.ds(s * SLC, SLC)])
    plsc.subcore_barrier()
    pltpu.sync_copy(dst_hbm.at[pl.ds(base, EW)], idx_v)
    pltpu.sync_copy(ones_v, deg_sh.at[idx_v], add=True)
    plsc.subcore_barrier()
    pltpu.sync_copy(deg_sh.at[pl.ds(s * SLC, SLC)],
                    out_hbm.at[c, pl.ds(s * SLC, SLC)])


_deg_call = pl.kernel(
    _deg_body,
    out_type=jax.ShapeDtypeStruct((NC, NPAD), jnp.float32),
    mesh=_MESH,
    scratch_types=[
        pltpu.VMEM((EW,), jnp.int32),
        pltpu.VMEM((EW,), jnp.float32),
        pltpu.VMEM_SHARED((NPAD,), jnp.float32),
    ],
    compiler_params=_SC_PARAMS,
)


def _make_edge_call(f, ch):
    nch = EW // ch

    def _edge_body(q_hbm, src_hbm, dst_hbm, zeros_hbm, out_hbm,
                   idxs_v, idxd_v, rows_v, acc_sh, sem):
        c = lax.axis_index("c")
        s = lax.axis_index("s")
        base = (s * NC + c) * EW
        pltpu.sync_copy(zeros_hbm, acc_sh.at[pl.ds(s * SLC, SLC)])
        plsc.subcore_barrier()

        def body(j, carry):
            off = base + j * ch
            pltpu.sync_copy(src_hbm.at[pl.ds(off, ch)], idxs_v)
            pltpu.sync_copy(dst_hbm.at[pl.ds(off, ch)], idxd_v)
            pltpu.async_copy(q_hbm.at[idxs_v], rows_v, sem).wait()
            pltpu.sync_copy(rows_v, acc_sh.at[idxd_v], add=True)
            return carry

        lax.fori_loop(0, nch, body, 0)
        plsc.subcore_barrier()
        pltpu.sync_copy(acc_sh.at[pl.ds(s * SLC, SLC)],
                        out_hbm.at[c, pl.ds(s * SLC, SLC)])

    return pl.kernel(
        _edge_body,
        out_type=jax.ShapeDtypeStruct((NC, NPAD, f), jnp.float32),
        mesh=_MESH,
        scratch_types=[
            pltpu.VMEM((ch,), jnp.int32),
            pltpu.VMEM((ch,), jnp.int32),
            pltpu.VMEM((ch, f), jnp.float32),
            pltpu.VMEM_SHARED((NPAD, f), jnp.float32),
            pltpu.SemaphoreType.DMA,
        ],
        compiler_params=_SC_PARAMS,
    )


_edge_call_1 = _make_edge_call(F1, 5000)
_edge_call_2 = _make_edge_call(F2, 10000)


def _k2_body(x_ref, dp_ref, w1_ref, q1_ref, dinv_ref):
    deg = dp_ref[:, 0:1] + dp_ref[:, 1:2] + 1.0
    dinv = lax.rsqrt(deg)
    oh = (x_ref[...] == lax.broadcasted_iota(jnp.int32, (N, F_IN), 1))
    q1 = jnp.dot(oh.astype(jnp.float32), w1_ref[...],
                 preferred_element_type=jnp.float32)
    q1_ref[...] = q1 * dinv
    dinv_ref[...] = dinv


_k2_call = pl.pallas_call(
    _k2_body,
    out_shape=(jax.ShapeDtypeStruct((N, F1), jnp.float32),
               jax.ShapeDtypeStruct((N, 1), jnp.float32)),
)


def _k4_body(q1_ref, acc_ref, dinv_ref, b1_ref, w2_ref, q2_ref):
    dinv = dinv_ref[...]
    s1 = q1_ref[...] + acc_ref[0, :N, :] + acc_ref[1, :N, :]
    h1 = jnp.maximum(s1 * dinv + b1_ref[...], 0.0)
    q2_ref[...] = jnp.dot(h1, w2_ref[...],
                          preferred_element_type=jnp.float32) * dinv


_k4_call = pl.pallas_call(
    _k4_body,
    out_shape=jax.ShapeDtypeStruct((N, F2), jnp.float32),
)


def _k6a_body(q2_ref, acc_ref, dinv_ref, b2_ref, h2_ref):
    h2_ref[...] = ((q2_ref[...] + acc_ref[0, :N, :] + acc_ref[1, :N, :])
                   * dinv_ref[...] + b2_ref[...])


_k6a_call = pl.pallas_call(
    _k6a_body,
    out_shape=jax.ShapeDtypeStruct((N, F2), jnp.float32),
)


def _k6b_body(h2_ref, batch_ref, out_ref):
    j = pl.program_id(0)
    mask = batch_ref[...] == j
    m = jnp.max(jnp.where(mask, h2_ref[...], -3.0e38), axis=0)
    out_ref[...] = m.reshape(1, 1, F2)


_k6b_call = pl.pallas_call(
    _k6b_body,
    grid=(G,),
    in_specs=[
        pl.BlockSpec((N, F2), lambda j: (0, 0)),
        pl.BlockSpec((N, 1), lambda j: (0, 0)),
    ],
    out_specs=pl.BlockSpec((1, 1, F2), lambda j: (j, 0, 0)),
    out_shape=jax.ShapeDtypeStruct((G, 1, F2), jnp.float32),
)


def _k7_body(g_ref, wlt_ref, bl_ref, out_ref):
    out_ref[...] = jnp.dot(g_ref[...], wlt_ref[...],
                           preferred_element_type=jnp.float32) + bl_ref[...]


_k7_call = pl.pallas_call(
    _k7_body,
    out_shape=jax.ShapeDtypeStruct((G, 1), jnp.float32),
)




def kernel(x, edge_index, batch, W1, b1, W2, b2, Wl, bl):
    x = x.astype(jnp.int32)
    ei = edge_index.astype(jnp.int32)
    batch = batch.astype(jnp.int32)
    src, dst = ei[0], ei[1]

    ones_c = jnp.ones((EW,), jnp.float32)
    zeros1 = jnp.zeros((SLC,), jnp.float32)
    zeros_f1 = jnp.zeros((SLC, F1), jnp.float32)
    zeros_f2 = jnp.zeros((SLC, F2), jnp.float32)

    degp = _deg_call(dst, ones_c, zeros1)
    dp = jnp.stack([degp[0, :N], degp[1, :N]], axis=1)
    q1, dinv = _k2_call(x.reshape(N, 1), dp, W1)

    acc1 = _edge_call_1(q1, src, dst, zeros_f1)
    W2p = jnp.zeros((F1, F2), jnp.float32).at[:, :5].set(W2)
    q2 = _k4_call(q1, acc1, dinv, b1.reshape(1, F1), W2p)

    acc2 = _edge_call_2(q2, src, dst, zeros_f2)
    b2p = jnp.zeros((1, F2), jnp.float32).at[0, :5].set(b2)
    wlt = jnp.zeros((F2, 1), jnp.float32).at[:5, 0].set(Wl[0])
    h2 = _k6a_call(q2, acc2, dinv, b2p)
    gmax = _k6b_call(h2, batch.reshape(N, 1))
    out = _k7_call(gmax.reshape(G, F2), wlt, bl.reshape(1, 1))
    return out.reshape(-1)

# --- scband reference (transcript-rebuilt; emitter-appended) ---
"""Pipeline reference for scband-contraction-model-18167711662597 (READ-ONLY COPY).

The authoritative reference and input builder live on the scoring server;
editing this copy changes nothing except your own understanding.
"""

import jax, jax.numpy as jnp
import numpy as np

N = 10000
E = 320000
F_IN = 128
NUM_GRAPHS = 128


def setup_inputs(seed: int = 0) -> dict:
    key = jax.random.key(seed)
    ks = jax.random.split(key, 8)
    x = jax.random.randint(ks[0], (N,), 0, F_IN)
    edge_index = jax.random.randint(ks[1], (2, E), 0, N)
    # sorted graph-assignment vector; prepend arange so every graph id is non-empty
    batch = jnp.sort(jnp.concatenate([
        jnp.arange(NUM_GRAPHS, dtype=jnp.int64 if jax.config.jax_enable_x64 else jnp.int32),
        jax.random.randint(ks[2], (N - NUM_GRAPHS,), 0, NUM_GRAPHS)
    ]))
    W1 = jax.random.normal(ks[3], (F_IN, 16), dtype=jnp.float32) * (1.0 / np.sqrt(F_IN))
    b1 = jnp.zeros((16,), dtype=jnp.float32)
    W2 = jax.random.normal(ks[4], (16, 5), dtype=jnp.float32) * (1.0 / np.sqrt(16.0))
    b2 = jnp.zeros((5,), dtype=jnp.float32)
    Wl = jax.random.normal(ks[5], (1, 5), dtype=jnp.float32) * (1.0 / np.sqrt(5.0))
    bl = jnp.zeros((1,), dtype=jnp.float32)
    return {"x": x, "edge_index": edge_index, "batch": batch,
            "W1": W1, "b1": b1, "W2": W2, "b2": b2, "Wl": Wl, "bl": bl}


def _gcn_conv(h, src, dst, norm, W, b, n_nodes):
    # GCNConv: linear transform, then sym-normalized sum aggregation, then bias
    h = h @ W
    msg = h[src] * norm[:, None]
    out = jax.ops.segment_sum(msg, dst, num_segments=n_nodes)
    return out + b


def reference(x, edge_index, batch, W1, b1, W2, b2, Wl, bl):
    n = x.shape[0]
    loop = jnp.arange(n, dtype=edge_index.dtype)
    src = jnp.concatenate([edge_index[0], loop])
    dst = jnp.concatenate([edge_index[1], loop])
    # symmetric normalization with self-loops (PyG GCNConv default)
    deg = jax.ops.segment_sum(jnp.ones_like(dst, dtype=jnp.float32), dst, num_segments=n)
    dinv = jnp.where(deg > 0, 1.0 / jnp.sqrt(deg), 0.0)
    norm = dinv[src] * dinv[dst]
    # x.long() -> one_hot(x, n_node_features).float()
    h = jax.nn.one_hot(x, F_IN, dtype=jnp.float32)
    h = _gcn_conv(h, src, dst, norm, W1, b1, n)
    h = jax.nn.relu(h)
    # dropout is identity in eval mode
    h = _gcn_conv(h, src, dst, norm, W2, b2, n)
    # global_max_pool over batch assignment
    g = jax.ops.segment_max(h, batch, num_segments=NUM_GRAPHS)
    out = g @ Wl.T + bl
    return out.flatten()

if __name__ == "__main__":
    import jax
    _d = setup_inputs()
    print(jax.jit(kernel)(*tuple(_d.values())))

</pallas_src>

<mosaic_0001>
#map = affine_map<(d0, d1) -> (0, 0)>
#map1 = affine_map<(d0, d1) -> (0)>
#map2 = affine_map<(d0, d1) -> (0, 0, 0)>
module attributes {stable_mosaic.version = 14 : i64} {
  func.func @_edge_body(%arg0: i32, %arg1: i32, %arg2: memref<10000x16xf32, #tpu.memory_space<hbm>>, %arg3: memref<320000xi32, #tpu.memory_space<hbm>>, %arg4: memref<320000xi32, #tpu.memory_space<hbm>>, %arg5: memref<640x16xf32, #tpu.memory_space<hbm>>, %arg6: memref<2x10240x16xf32, #tpu.memory_space<hbm>>, %arg7: memref<5000xi32, #tpu.memory_space<vmem>>, %arg8: memref<5000xi32, #tpu.memory_space<vmem>>, %arg9: memref<5000x16xf32, #tpu.memory_space<vmem>>, %arg10: memref<10240x16xf32, #tpu.memory_space<vmem_shared>>, %arg11: memref<!tpu.dma_semaphore, #tpu.memory_space<semaphore_mem>>) attributes {dimension_semantics = [#tpu.dimension_semantics<core_parallel>, #tpu.dimension_semantics<subcore_parallel>], iteration_bounds = array<i64: 2, 16>, scalar_prefetch = 0 : i64, scratch_operands = 5 : i64, tpu.core_type = #tpu.core_type<sc_vector_subcore>, window_params = [{transform_indices = #map}, {transform_indices = #map1}, {transform_indices = #map1}, {transform_indices = #map}, {transform_indices = #map2}]} {
    %mul3A = arith.constant 2 : i32
    %mul3A_0 = arith.muli %arg1, %mul3A : i32
    %add3A = arith.addi %mul3A_0, %arg0 : i32
    %mul3A_1 = arith.constant 10000 : i32
    %mul3A_2 = arith.muli %add3A, %mul3A_1 : i32
    %mul3A_3 = arith.constant 640 : i32
    %mul3A_4 = arith.muli %arg1, %mul3A_3 : i32
    "tpu.region"() ({
      %run_scoped3A = tpu.sem_alloc : memref<!tpu.dma_semaphore, #tpu.memory_space<semaphore_mem>>
      %dma_start3A = arith.constant 0 : i32
      %dma_start3A_15 = tpu.memref_slice %arg10[%mul3A_4, %dma_start3A] : memref<10240x16xf32, #tpu.memory_space<vmem_shared>> -> memref<640x16xf32, #tpu.memory_space<vmem_shared>>
      tpu.enqueue_dma source(%arg5 : memref<640x16xf32, #tpu.memory_space<hbm>>) target(%dma_start3A_15 : memref<640x16xf32, #tpu.memory_space<vmem_shared>>) target_semaphore(%run_scoped3A : memref<!tpu.dma_semaphore, #tpu.memory_space<semaphore_mem>>)
      %dma_wait3A = arith.constant 0 : i32
      %dma_wait3A_16 = tpu.memref_slice %arg10[%mul3A_4, %dma_wait3A] : memref<10240x16xf32, #tpu.memory_space<vmem_shared>> -> memref<640x16xf32, #tpu.memory_space<vmem_shared>>
      tpu.wait_dma2 semaphore(%run_scoped3A : memref<!tpu.dma_semaphore, #tpu.memory_space<semaphore_mem>>) src(%arg5 : memref<640x16xf32, #tpu.memory_space<hbm>>) dst(%dma_wait3A_16 : memref<640x16xf32, #tpu.memory_space<vmem_shared>>)
      tpu.yield
    }) : () -> ()
    %barrier3A = arith.constant 0 : index
    tpu.barrier barrier_id(%barrier3A)
    %scan3A = arith.constant 0 : i32
    %scan3A_5 = arith.constant 0 : i32
    %scan3A_6 = arith.constant 2 : i32
    %scan3A_7 = arith.addi %scan3A_5, %scan3A_6 : i32
    %scan3A_8 = arith.constant 1 : i32
    scf.for %scan3A_15 = %scan3A_5 to %scan3A_7 step %scan3A_8  : i32 {
      %mul3A_16 = arith.constant 5000 : i32
      %mul3A_17 = arith.muli %scan3A_15, %mul3A_16 : i32
      %add3A_18 = arith.addi %mul3A_2, %mul3A_17 : i32
      "tpu.region"() ({
        %run_scoped3A = tpu.sem_alloc : memref<!tpu.dma_semaphore, #tpu.memory_space<semaphore_mem>>
        %dma_start3A_23 = tpu.memref_slice %arg3[%add3A_18] : memref<320000xi32, #tpu.memory_space<hbm>> -> memref<5000xi32, #tpu.memory_space<hbm>>
        %dma_start3A_24 = tpu.memref_slice %arg3[%add3A_18] : memref<320000xi32, #tpu.memory_space<hbm>> -> memref<5000xi32, #tpu.memory_space<hbm>>
        tpu.enqueue_dma source(%dma_start3A_24 : memref<5000xi32, #tpu.memory_space<hbm>>) target(%arg7 : memref<5000xi32, #tpu.memory_space<vmem>>) target_semaphore(%run_scoped3A : memref<!tpu.dma_semaphore, #tpu.memory_space<semaphore_mem>>)
        %dma_wait3A_25 = tpu.memref_slice %arg3[%add3A_18] : memref<320000xi32, #tpu.memory_space<hbm>> -> memref<5000xi32, #tpu.memory_space<hbm>>
        %dma_wait3A_26 = tpu.memref_slice %arg3[%add3A_18] : memref<320000xi32, #tpu.memory_space<hbm>> -> memref<5000xi32, #tpu.memory_space<hbm>>
        tpu.wait_dma2 semaphore(%run_scoped3A : memref<!tpu.dma_semaphore, #tpu.memory_space<semaphore_mem>>) src(%dma_wait3A_26 : memref<5000xi32, #tpu.memory_space<hbm>>) dst(%arg7 : memref<5000xi32, #tpu.memory_space<vmem>>)
        tpu.yield
      }) : () -> ()
      "tpu.region"() ({
        %run_scoped3A = tpu.sem_alloc : memref<!tpu.dma_semaphore, #tpu.memory_space<semaphore_mem>>
        %dma_start3A_23 = tpu.memref_slice %arg4[%add3A_18] : memref<320000xi32, #tpu.memory_space<hbm>> -> memref<5000xi32, #tpu.memory_space<hbm>>
        %dma_start3A_24 = tpu.memref_slice %arg4[%add3A_18] : memref<320000xi32, #tpu.memory_space<hbm>> -> memref<5000xi32, #tpu.memory_space<hbm>>
        tpu.enqueue_dma source(%dma_start3A_24 : memref<5000xi32, #tpu.memory_space<hbm>>) target(%arg8 : memref<5000xi32, #tpu.memory_space<vmem>>) target_semaphore(%run_scoped3A : memref<!tpu.dma_semaphore, #tpu.memory_space<semaphore_mem>>)
        %dma_wait3A_25 = tpu.memref_slice %arg4[%add3A_18] : memref<320000xi32, #tpu.memory_space<hbm>> -> memref<5000xi32, #tpu.memory_space<hbm>>
        %dma_wait3A_26 = tpu.memref_slice %arg4[%add3A_18] : memref<320000xi32, #tpu.memory_space<hbm>> -> memref<5000xi32, #tpu.memory_space<hbm>>
        tpu.wait_dma2 semaphore(%run_scoped3A : memref<!tpu.dma_semaphore, #tpu.memory_space<semaphore_mem>>) src(%dma_wait3A_26 : memref<5000xi32, #tpu.memory_space<hbm>>) dst(%arg8 : memref<5000xi32, #tpu.memory_space<vmem>>)
        tpu.yield
      }) : () -> ()
      %dma_start3A = arith.constant 0 : i32
      %dma_start3A_19 = arith.constant 0 : i32
      %dma_start3A_20 = tpu.memref_slice %arg2[%dma_start3A, %dma_start3A_19] : memref<10000x16xf32, #tpu.memory_space<hbm>> -> memref<10000x16xf32, #tpu.memory_space<hbm>>
      tpu.enqueue_indirect_dma source(%dma_start3A_20 : memref<10000x16xf32, #tpu.memory_space<hbm>>) target(%arg9 : memref<5000x16xf32, #tpu.memory_space<vmem>>) offsets(%arg7 : memref<5000xi32, #tpu.memory_space<vmem>>) semaphore(%arg11 : memref<!tpu.dma_semaphore, #tpu.memory_space<semaphore_mem>>)
      %dma_wait3A = arith.constant 0 : i32
      %dma_wait3A_21 = arith.constant 0 : i32
      %dma_wait3A_22 = tpu.memref_slice %arg2[%dma_wait3A, %dma_wait3A_21] : memref<10000x16xf32, #tpu.memory_space<hbm>> -> memref<10000x16xf32, #tpu.memory_space<hbm>>
      tpu.wait_indirect_dma semaphore(%arg11 : memref<!tpu.dma_semaphore, #tpu.memory_space<semaphore_mem>>) src(%dma_wait3A_22 : memref<10000x16xf32, #tpu.memory_space<hbm>>) dst(%arg9 : memref<5000x16xf32, #tpu.memory_space<vmem>>)
      "tpu.region"() ({
        %run_scoped3A = tpu.sem_alloc : memref<!tpu.dma_semaphore, #tpu.memory_space<semaphore_mem>>
        %dma_start3A_23 = arith.constant 0 : i32
        %dma_start3A_24 = arith.constant 0 : i32
        %dma_start3A_25 = tpu.memref_slice %arg10[%dma_start3A_23, %dma_start3A_24] : memref<10240x16xf32, #tpu.memory_space<vmem_shared>> -> memref<10240x16xf32, #tpu.memory_space<vmem_shared>>
        tpu.enqueue_indirect_dma source(%arg9 : memref<5000x16xf32, #tpu.memory_space<vmem>>) target(%dma_start3A_25 : memref<10240x16xf32, #tpu.memory_space<vmem_shared>>) offsets(%arg8 : memref<5000xi32, #tpu.memory_space<vmem>>) semaphore(%run_scoped3A : memref<!tpu.dma_semaphore, #tpu.memory_space<semaphore_mem>>) {add = true}
        %dma_wait3A_26 = arith.constant 0 : i32
        %dma_wait3A_27 = arith.constant 0 : i32
        %dma_wait3A_28 = tpu.memref_slice %arg10[%dma_wait3A_26, %dma_wait3A_27] : memref<10240x16xf32, #tpu.memory_space<vmem_shared>> -> memref<10240x16xf32, #tpu.memory_space<vmem_shared>>
        tpu.wait_indirect_dma semaphore(%run_scoped3A : memref<!tpu.dma_semaphore, #tpu.memory_space<semaphore_mem>>) src(%arg9 : memref<5000x16xf32, #tpu.memory_space<vmem>>) dst(%dma_wait3A_28 : memref<10240x16xf32, #tpu.memory_space<vmem_shared>>)
        tpu.yield
      }) : () -> ()
    }
    %scan3A_9 = arith.constant 2 : i32
    %barrier3A_10 = arith.constant 0 : index
    tpu.barrier barrier_id(%barrier3A_10)
    %mul3A_11 = arith.constant 640 : i32
    %mul3A_12 = arith.muli %arg1, %mul3A_11 : i32
    %mul3A_13 = arith.constant 640 : i32
    %mul3A_14 = arith.muli %arg1, %mul3A_13 : i32
    "tpu.region"() ({
      %run_scoped3A = tpu.sem_alloc : memref<!tpu.dma_semaphore, #tpu.memory_space<semaphore_mem>>
      %dma_start3A = arith.constant 0 : i32
      %dma_start3A_15 = tpu.memref_slice %arg6[%arg0, %mul3A_14, %dma_start3A] : memref<2x10240x16xf32, #tpu.memory_space<hbm>> -> memref<1x640x16xf32, #tpu.memory_space<hbm>>
      %dma_start3A_16 = tpu.memref_squeeze %dma_start3A_15 : memref<1x640x16xf32, #tpu.memory_space<hbm>> -> memref<640x16xf32, #tpu.memory_space<hbm>>
      %dma_start3A_17 = arith.constant 0 : i32
      %dma_start3A_18 = tpu.memref_slice %arg10[%mul3A_12, %dma_start3A_17] : memref<10240x16xf32, #tpu.memory_space<vmem_shared>> -> memref<640x16xf32, #tpu.memory_space<vmem_shared>>
      tpu.enqueue_dma source(%dma_start3A_18 : memref<640x16xf32, #tpu.memory_space<vmem_shared>>) target(%dma_start3A_16 : memref<640x16xf32, #tpu.memory_space<hbm>>) target_semaphore(%run_scoped3A : memref<!tpu.dma_semaphore, #tpu.memory_space<semaphore_mem>>)
      %dma_wait3A = arith.constant 0 : i32
      %dma_wait3A_19 = tpu.memref_slice %arg6[%arg0, %mul3A_14, %dma_wait3A] : memref<2x10240x16xf32, #tpu.memory_space<hbm>> -> memref<1x640x16xf32, #tpu.memory_space<hbm>>
      %dma_wait3A_20 = tpu.memref_squeeze %dma_wait3A_19 : memref<1x640x16xf32, #tpu.memory_space<hbm>> -> memref<640x16xf32, #tpu.memory_space<hbm>>
      %dma_wait3A_21 = arith.constant 0 : i32
      %dma_wait3A_22 = tpu.memref_slice %arg10[%mul3A_12, %dma_wait3A_21] : memref<10240x16xf32, #tpu.memory_space<vmem_shared>> -> memref<640x16xf32, #tpu.memory_space<vmem_shared>>
      tpu.wait_dma2 semaphore(%run_scoped3A : memref<!tpu.dma_semaphore, #tpu.memory_space<semaphore_mem>>) src(%dma_wait3A_22 : memref<640x16xf32, #tpu.memory_space<vmem_shared>>) dst(%dma_wait3A_20 : memref<640x16xf32, #tpu.memory_space<hbm>>)
      tpu.yield
    }) : () -> ()
    return
  }
}

#map = affine_map<(d0, d1) -> (0, 0)>
#map1 = affine_map<(d0, d1) -> (0)>
#map2 = affine_map<(d0, d1) -> (0, 0, 0)>
module attributes {stable_mosaic.version = 14 : i64} {
  func.func @_edge_body(%arg0: i32, %arg1: i32, %arg2: memref<10000x8xf32, #tpu.memory_space<hbm>>, %arg3: memref<320000xi32, #tpu.memory_space<hbm>>, %arg4: memref<320000xi32, #tpu.memory_space<hbm>>, %arg5: memref<640x8xf32, #tpu.memory_space<hbm>>, %arg6: memref<2x10240x8xf32, #tpu.memory_space<hbm>>, %arg7: memref<10000xi32, #tpu.memory_space<vmem>>, %arg8: memref<10000xi32, #tpu.memory_space<vmem>>, %arg9: memref<10000x8xf32, #tpu.memory_space<vmem>>, %arg10: memref<10240x8xf32, #tpu.memory_space<vmem_shared>>, %arg11: memref<!tpu.dma_semaphore, #tpu.memory_space<semaphore_mem>>) attributes {dimension_semantics = [#tpu.dimension_semantics<core_parallel>, #tpu.dimension_semantics<subcore_parallel>], iteration_bounds = array<i64: 2, 16>, scalar_prefetch = 0 : i64, scratch_operands = 5 : i64, tpu.core_type = #tpu.core_type<sc_vector_subcore>, window_params = [{transform_indices = #map}, {transform_indices = #map1}, {transform_indices = #map1}, {transform_indices = #map}, {transform_indices = #map2}]} {
    %mul3A = arith.constant 2 : i32
    %mul3A_0 = arith.muli %arg1, %mul3A : i32
    %add3A = arith.addi %mul3A_0, %arg0 : i32
    %mul3A_1 = arith.constant 10000 : i32
    %mul3A_2 = arith.muli %add3A, %mul3A_1 : i32
    %mul3A_3 = arith.constant 640 : i32
    %mul3A_4 = arith.muli %arg1, %mul3A_3 : i32
    "tpu.region"() ({
      %run_scoped3A = tpu.sem_alloc : memref<!tpu.dma_semaphore, #tpu.memory_space<semaphore_mem>>
      %dma_start3A_19 = arith.constant 0 : i32
      %dma_start3A_20 = tpu.memref_slice %arg10[%mul3A_4, %dma_start3A_19] : memref<10240x8xf32, #tpu.memory_space<vmem_shared>> -> memref<640x8xf32, #tpu.memory_space<vmem_shared>>
      tpu.enqueue_dma source(%arg5 : memref<640x8xf32, #tpu.memory_space<hbm>>) target(%dma_start3A_20 : memref<640x8xf32, #tpu.memory_space<vmem_shared>>) target_semaphore(%run_scoped3A : memref<!tpu.dma_semaphore, #tpu.memory_space<semaphore_mem>>)
      %dma_wait3A_21 = arith.constant 0 : i32
      %dma_wait3A_22 = tpu.memref_slice %arg10[%mul3A_4, %dma_wait3A_21] : memref<10240x8xf32, #tpu.memory_space<vmem_shared>> -> memref<640x8xf32, #tpu.memory_space<vmem_shared>>
      tpu.wait_dma2 semaphore(%run_scoped3A : memref<!tpu.dma_semaphore, #tpu.memory_space<semaphore_mem>>) src(%arg5 : memref<640x8xf32, #tpu.memory_space<hbm>>) dst(%dma_wait3A_22 : memref<640x8xf32, #tpu.memory_space<vmem_shared>>)
      tpu.yield
    }) : () -> ()
    %barrier3A = arith.constant 0 : index
    tpu.barrier barrier_id(%barrier3A)
    %scan3A = arith.constant 0 : i32
    %scan3A_5 = arith.constant 0 : i32
    %mul3A_6 = arith.constant 10000 : i32
    %mul3A_7 = arith.muli %scan3A_5, %mul3A_6 : i32
    %add3A_8 = arith.addi %mul3A_2, %mul3A_7 : i32
    "tpu.region"() ({
      %run_scoped3A = tpu.sem_alloc : memref<!tpu.dma_semaphore, #tpu.memory_space<semaphore_mem>>
      %dma_start3A_19 = tpu.memref_slice %arg3[%add3A_8] : memref<320000xi32, #tpu.memory_space<hbm>> -> memref<10000xi32, #tpu.memory_space<hbm>>
      %dma_start3A_20 = tpu.memref_slice %arg3[%add3A_8] : memref<320000xi32, #tpu.memory_space<hbm>> -> memref<10000xi32, #tpu.memory_space<hbm>>
      tpu.enqueue_dma source(%dma_start3A_20 : memref<10000xi32, #tpu.memory_space<hbm>>) target(%arg7 : memref<10000xi32, #tpu.memory_space<vmem>>) target_semaphore(%run_scoped3A : memref<!tpu.dma_semaphore, #tpu.memory_space<semaphore_mem>>)
      %dma_wait3A_21 = tpu.memref_slice %arg3[%add3A_8] : memref<320000xi32, #tpu.memory_space<hbm>> -> memref<10000xi32, #tpu.memory_space<hbm>>
      %dma_wait3A_22 = tpu.memref_slice %arg3[%add3A_8] : memref<320000xi32, #tpu.memory_space<hbm>> -> memref<10000xi32, #tpu.memory_space<hbm>>
      tpu.wait_dma2 semaphore(%run_scoped3A : memref<!tpu.dma_semaphore, #tpu.memory_space<semaphore_mem>>) src(%dma_wait3A_22 : memref<10000xi32, #tpu.memory_space<hbm>>) dst(%arg7 : memref<10000xi32, #tpu.memory_space<vmem>>)
      tpu.yield
    }) : () -> ()
    "tpu.region"() ({
      %run_scoped3A = tpu.sem_alloc : memref<!tpu.dma_semaphore, #tpu.memory_space<semaphore_mem>>
      %dma_start3A_19 = tpu.memref_slice %arg4[%add3A_8] : memref<320000xi32, #tpu.memory_space<hbm>> -> memref<10000xi32, #tpu.memory_space<hbm>>
      %dma_start3A_20 = tpu.memref_slice %arg4[%add3A_8] : memref<320000xi32, #tpu.memory_space<hbm>> -> memref<10000xi32, #tpu.memory_space<hbm>>
      tpu.enqueue_dma source(%dma_start3A_20 : memref<10000xi32, #tpu.memory_space<hbm>>) target(%arg8 : memref<10000xi32, #tpu.memory_space<vmem>>) target_semaphore(%run_scoped3A : memref<!tpu.dma_semaphore, #tpu.memory_space<semaphore_mem>>)
      %dma_wait3A_21 = tpu.memref_slice %arg4[%add3A_8] : memref<320000xi32, #tpu.memory_space<hbm>> -> memref<10000xi32, #tpu.memory_space<hbm>>
      %dma_wait3A_22 = tpu.memref_slice %arg4[%add3A_8] : memref<320000xi32, #tpu.memory_space<hbm>> -> memref<10000xi32, #tpu.memory_space<hbm>>
      tpu.wait_dma2 semaphore(%run_scoped3A : memref<!tpu.dma_semaphore, #tpu.memory_space<semaphore_mem>>) src(%dma_wait3A_22 : memref<10000xi32, #tpu.memory_space<hbm>>) dst(%arg8 : memref<10000xi32, #tpu.memory_space<vmem>>)
      tpu.yield
    }) : () -> ()
    %dma_start3A = arith.constant 0 : i32
    %dma_start3A_9 = arith.constant 0 : i32
    %dma_start3A_10 = tpu.memref_slice %arg2[%dma_start3A, %dma_start3A_9] : memref<10000x8xf32, #tpu.memory_space<hbm>> -> memref<10000x8xf32, #tpu.memory_space<hbm>>
    tpu.enqueue_indirect_dma source(%dma_start3A_10 : memref<10000x8xf32, #tpu.memory_space<hbm>>) target(%arg9 : memref<10000x8xf32, #tpu.memory_space<vmem>>) offsets(%arg7 : memref<10000xi32, #tpu.memory_space<vmem>>) semaphore(%arg11 : memref<!tpu.dma_semaphore, #tpu.memory_space<semaphore_mem>>)
    %dma_wait3A = arith.constant 0 : i32
    %dma_wait3A_11 = arith.constant 0 : i32
    %dma_wait3A_12 = tpu.memref_slice %arg2[%dma_wait3A, %dma_wait3A_11] : memref<10000x8xf32, #tpu.memory_space<hbm>> -> memref<10000x8xf32, #tpu.memory_space<hbm>>
    tpu.wait_indirect_dma semaphore(%arg11 : memref<!tpu.dma_semaphore, #tpu.memory_space<semaphore_mem>>) src(%dma_wait3A_12 : memref<10000x8xf32, #tpu.memory_space<hbm>>) dst(%arg9 : memref<10000x8xf32, #tpu.memory_space<vmem>>)
    "tpu.region"() ({
      %run_scoped3A = tpu.sem_alloc : memref<!tpu.dma_semaphore, #tpu.memory_space<semaphore_mem>>
      %dma_start3A_19 = arith.constant 0 : i32
      %dma_start3A_20 = arith.constant 0 : i32
      %dma_start3A_21 = tpu.memref_slice %arg10[%dma_start3A_19, %dma_start3A_20] : memref<10240x8xf32, #tpu.memory_space<vmem_shared>> -> memref<10240x8xf32, #tpu.memory_space<vmem_shared>>
      tpu.enqueue_indirect_dma source(%arg9 : memref<10000x8xf32, #tpu.memory_space<vmem>>) target(%dma_start3A_21 : memref<10240x8xf32, #tpu.memory_space<vmem_shared>>) offsets(%arg8 : memref<10000xi32, #tpu.memory_space<vmem>>) semaphore(%run_scoped3A : memref<!tpu.dma_semaphore, #tpu.memory_space<semaphore_mem>>) {add = true}
      %dma_wait3A_22 = arith.constant 0 : i32
      %dma_wait3A_23 = arith.constant 0 : i32
      %dma_wait3A_24 = tpu.memref_slice %arg10[%dma_wait3A_22, %dma_wait3A_23] : memref<10240x8xf32, #tpu.memory_space<vmem_shared>> -> memref<10240x8xf32, #tpu.memory_space<vmem_shared>>
      tpu.wait_indirect_dma semaphore(%run_scoped3A : memref<!tpu.dma_semaphore, #tpu.memory_space<semaphore_mem>>) src(%arg9 : memref<10000x8xf32, #tpu.memory_space<vmem>>) dst(%dma_wait3A_24 : memref<10240x8xf32, #tpu.memory_space<vmem_shared>>)
      tpu.yield
    }) : () -> ()
    %scan3A_13 = arith.constant 1 : i32
    %barrier3A_14 = arith.constant 0 : index
    tpu.barrier barrier_id(%barrier3A_14)
    %mul3A_15 = arith.constant 640 : i32
    %mul3A_16 = arith.muli %arg1, %mul3A_15 : i32
    %mul3A_17 = arith.constant 640 : i32
    %mul3A_18 = arith.muli %arg1, %mul3A_17 : i32
    "tpu.region"() ({
      %run_scoped3A = tpu.sem_alloc : memref<!tpu.dma_semaphore, #tpu.memory_space<semaphore_mem>>
      %dma_start3A_19 = arith.constant 0 : i32
      %dma_start3A_20 = tpu.memref_slice %arg6[%arg0, %mul3A_18, %dma_start3A_19] : memref<2x10240x8xf32, #tpu.memory_space<hbm>> -> memref<1x640x8xf32, #tpu.memory_space<hbm>>
      %dma_start3A_21 = tpu.memref_squeeze %dma_start3A_20 : memref<1x640x8xf32, #tpu.memory_space<hbm>> -> memref<640x8xf32, #tpu.memory_space<hbm>>
      %dma_start3A_22 = arith.constant 0 : i32
      %dma_start3A_23 = tpu.memref_slice %arg10[%mul3A_16, %dma_start3A_22] : memref<10240x8xf32, #tpu.memory_space<vmem_shared>> -> memref<640x8xf32, #tpu.memory_space<vmem_shared>>
      tpu.enqueue_dma source(%dma_start3A_23 : memref<640x8xf32, #tpu.memory_space<vmem_shared>>) target(%dma_start3A_21 : memref<640x8xf32, #tpu.memory_space<hbm>>) target_semaphore(%run_scoped3A : memref<!tpu.dma_semaphore, #tpu.memory_space<semaphore_mem>>)
      %dma_wait3A_24 = arith.constant 0 : i32
      %dma_wait3A_25 = tpu.memref_slice %arg6[%arg0, %mul3A_18, %dma_wait3A_24] : memref<2x10240x8xf32, #tpu.memory_space<hbm>> -> memref<1x640x8xf32, #tpu.memory_space<hbm>>
      %dma_wait3A_26 = tpu.memref_squeeze %dma_wait3A_25 : memref<1x640x8xf32, #tpu.memory_space<hbm>> -> memref<640x8xf32, #tpu.memory_space<hbm>>
      %dma_wait3A_27 = arith.constant 0 : i32
      %dma_wait3A_28 = tpu.memref_slice %arg10[%mul3A_16, %dma_wait3A_27] : memref<10240x8xf32, #tpu.memory_space<vmem_shared>> -> memref<640x8xf32, #tpu.memory_space<vmem_shared>>
      tpu.wait_dma2 semaphore(%run_scoped3A : memref<!tpu.dma_semaphore, #tpu.memory_space<semaphore_mem>>) src(%dma_wait3A_28 : memref<640x8xf32, #tpu.memory_space<vmem_shared>>) dst(%dma_wait3A_26 : memref<640x8xf32, #tpu.memory_space<hbm>>)
      tpu.yield
    }) : () -> ()
    return
  }
}

#map = affine_map<(d0, d1) -> (0)>
#map1 = affine_map<(d0, d1) -> (0, 0)>
module attributes {stable_mosaic.version = 14 : i64} {
  func.func @_deg_body(%arg0: i32, %arg1: i32, %arg2: memref<320000xi32, #tpu.memory_space<hbm>>, %arg3: memref<10000xf32, #tpu.memory_space<hbm>>, %arg4: memref<640xf32, #tpu.memory_space<hbm>>, %arg5: memref<2x10240xf32, #tpu.memory_space<hbm>>, %arg6: memref<10000xi32, #tpu.memory_space<vmem>>, %arg7: memref<10000xf32, #tpu.memory_space<vmem>>, %arg8: memref<10240xf32, #tpu.memory_space<vmem_shared>>) attributes {dimension_semantics = [#tpu.dimension_semantics<core_parallel>, #tpu.dimension_semantics<subcore_parallel>], iteration_bounds = array<i64: 2, 16>, scalar_prefetch = 0 : i64, scratch_operands = 3 : i64, tpu.core_type = #tpu.core_type<sc_vector_subcore>, window_params = [{transform_indices = #map}, {transform_indices = #map}, {transform_indices = #map}, {transform_indices = #map1}]} {
    %mul3A = arith.constant 2 : i32
    %mul3A_0 = arith.muli %arg1, %mul3A : i32
    %add3A = arith.addi %mul3A_0, %arg0 : i32
    %mul3A_1 = arith.constant 10000 : i32
    %mul3A_2 = arith.muli %add3A, %mul3A_1 : i32
    "tpu.region"() ({
      %run_scoped3A = tpu.sem_alloc : memref<!tpu.dma_semaphore, #tpu.memory_space<semaphore_mem>>
      tpu.enqueue_dma source(%arg3 : memref<10000xf32, #tpu.memory_space<hbm>>) target(%arg7 : memref<10000xf32, #tpu.memory_space<vmem>>) target_semaphore(%run_scoped3A : memref<!tpu.dma_semaphore, #tpu.memory_space<semaphore_mem>>)
      tpu.wait_dma2 semaphore(%run_scoped3A : memref<!tpu.dma_semaphore, #tpu.memory_space<semaphore_mem>>) src(%arg3 : memref<10000xf32, #tpu.memory_space<hbm>>) dst(%arg7 : memref<10000xf32, #tpu.memory_space<vmem>>)
      tpu.yield
    }) : () -> ()
    %mul3A_3 = arith.constant 640 : i32
    %mul3A_4 = arith.muli %arg1, %mul3A_3 : i32
    "tpu.region"() ({
      %run_scoped3A = tpu.sem_alloc : memref<!tpu.dma_semaphore, #tpu.memory_space<semaphore_mem>>
      %dma_start3A = tpu.memref_slice %arg8[%mul3A_4] : memref<10240xf32, #tpu.memory_space<vmem_shared>> -> memref<640xf32, #tpu.memory_space<vmem_shared>>
      tpu.enqueue_dma source(%arg4 : memref<640xf32, #tpu.memory_space<hbm>>) target(%dma_start3A : memref<640xf32, #tpu.memory_space<vmem_shared>>) target_semaphore(%run_scoped3A : memref<!tpu.dma_semaphore, #tpu.memory_space<semaphore_mem>>)
      %dma_wait3A = tpu.memref_slice %arg8[%mul3A_4] : memref<10240xf32, #tpu.memory_space<vmem_shared>> -> memref<640xf32, #tpu.memory_space<vmem_shared>>
      tpu.wait_dma2 semaphore(%run_scoped3A : memref<!tpu.dma_semaphore, #tpu.memory_space<semaphore_mem>>) src(%arg4 : memref<640xf32, #tpu.memory_space<hbm>>) dst(%dma_wait3A : memref<640xf32, #tpu.memory_space<vmem_shared>>)
      tpu.yield
    }) : () -> ()
    %barrier3A = arith.constant 0 : index
    tpu.barrier barrier_id(%barrier3A)
    "tpu.region"() ({
      %run_scoped3A = tpu.sem_alloc : memref<!tpu.dma_semaphore, #tpu.memory_space<semaphore_mem>>
      %dma_start3A = tpu.memref_slice %arg2[%mul3A_2] : memref<320000xi32, #tpu.memory_space<hbm>> -> memref<10000xi32, #tpu.memory_space<hbm>>
      %dma_start3A_10 = tpu.memref_slice %arg2[%mul3A_2] : memref<320000xi32, #tpu.memory_space<hbm>> -> memref<10000xi32, #tpu.memory_space<hbm>>
      tpu.enqueue_dma source(%dma_start3A_10 : memref<10000xi32, #tpu.memory_space<hbm>>) target(%arg6 : memref<10000xi32, #tpu.memory_space<vmem>>) target_semaphore(%run_scoped3A : memref<!tpu.dma_semaphore, #tpu.memory_space<semaphore_mem>>)
      %dma_wait3A = tpu.memref_slice %arg2[%mul3A_2] : memref<320000xi32, #tpu.memory_space<hbm>> -> memref<10000xi32, #tpu.memory_space<hbm>>
      %dma_wait3A_11 = tpu.memref_slice %arg2[%mul3A_2] : memref<320000xi32, #tpu.memory_space<hbm>> -> memref<10000xi32, #tpu.memory_space<hbm>>
      tpu.wait_dma2 semaphore(%run_scoped3A : memref<!tpu.dma_semaphore, #tpu.memory_space<semaphore_mem>>) src(%dma_wait3A_11 : memref<10000xi32, #tpu.memory_space<hbm>>) dst(%arg6 : memref<10000xi32, #tpu.memory_space<vmem>>)
      tpu.yield
    }) : () -> ()
    "tpu.region"() ({
      %run_scoped3A = tpu.sem_alloc : memref<!tpu.dma_semaphore, #tpu.memory_space<semaphore_mem>>
      %dma_start3A = arith.constant 0 : i32
      %dma_start3A_10 = tpu.memref_slice %arg8[%dma_start3A] : memref<10240xf32, #tpu.memory_space<vmem_shared>> -> memref<10240xf32, #tpu.memory_space<vmem_shared>>
      tpu.enqueue_indirect_dma source(%arg7 : memref<10000xf32, #tpu.memory_space<vmem>>) target(%dma_start3A_10 : memref<10240xf32, #tpu.memory_space<vmem_shared>>) offsets(%arg6 : memref<10000xi32, #tpu.memory_space<vmem>>) semaphore(%run_scoped3A : memref<!tpu.dma_semaphore, #tpu.memory_space<semaphore_mem>>) {add = true}
      %dma_wait3A = arith.constant 0 : i32
      %dma_wait3A_11 = tpu.memref_slice %arg8[%dma_wait3A] : memref<10240xf32, #tpu.memory_space<vmem_shared>> -> memref<10240xf32, #tpu.memory_space<vmem_shared>>
      tpu.wait_indirect_dma semaphore(%run_scoped3A : memref<!tpu.dma_semaphore, #tpu.memory_space<semaphore_mem>>) src(%arg7 : memref<10000xf32, #tpu.memory_space<vmem>>) dst(%dma_wait3A_11 : memref<10240xf32, #tpu.memory_space<vmem_shared>>)
      tpu.yield
    }) : () -> ()
    %barrier3A_5 = arith.constant 0 : index
    tpu.barrier barrier_id(%barrier3A_5)
    %mul3A_6 = arith.constant 640 : i32
    %mul3A_7 = arith.muli %arg1, %mul3A_6 : i32
    %mul3A_8 = arith.constant 640 : i32
    %mul3A_9 = arith.muli %arg1, %mul3A_8 : i32
    "tpu.region"() ({
      %run_scoped3A = tpu.sem_alloc : memref<!tpu.dma_semaphore, #tpu.memory_space<semaphore_mem>>
      %dma_start3A = tpu.memref_slice %arg5[%arg0, %mul3A_9] : memref<2x10240xf32, #tpu.memory_space<hbm>> -> memref<1x640xf32, #tpu.memory_space<hbm>>
      %dma_start3A_10 = tpu.memref_squeeze %dma_start3A : memref<1x640xf32, #tpu.memory_space<hbm>> -> memref<640xf32, #tpu.memory_space<hbm>>
      %dma_start3A_11 = tpu.memref_slice %arg8[%mul3A_7] : memref<10240xf32, #tpu.memory_space<vmem_shared>> -> memref<640xf32, #tpu.memory_space<vmem_shared>>
      tpu.enqueue_dma source(%dma_start3A_11 : memref<640xf32, #tpu.memory_space<vmem_shared>>) target(%dma_start3A_10 : memref<640xf32, #tpu.memory_space<hbm>>) target_semaphore(%run_scoped3A : memref<!tpu.dma_semaphore, #tpu.memory_space<semaphore_mem>>)
      %dma_wait3A = tpu.memref_slice %arg5[%arg0, %mul3A_9] : memref<2x10240xf32, #tpu.memory_space<hbm>> -> memref<1x640xf32, #tpu.memory_space<hbm>>
      %dma_wait3A_12 = tpu.memref_squeeze %dma_wait3A : memref<1x640xf32, #tpu.memory_space<hbm>> -> memref<640xf32, #tpu.memory_space<hbm>>
      %dma_wait3A_13 = tpu.memref_slice %arg8[%mul3A_7] : memref<10240xf32, #tpu.memory_space<vmem_shared>> -> memref<640xf32, #tpu.memory_space<vmem_shared>>
      tpu.wait_dma2 semaphore(%run_scoped3A : memref<!tpu.dma_semaphore, #tpu.memory_space<semaphore_mem>>) src(%dma_wait3A_13 : memref<640xf32, #tpu.memory_space<vmem_shared>>) dst(%dma_wait3A_12 : memref<640xf32, #tpu.memory_space<hbm>>)
      tpu.yield
    }) : () -> ()
    return
  }
}

module attributes {stable_mosaic.version = 14 : i64} {
  func.func @_k2_body(%arg0: memref<10000x1xi32, #tpu.memory_space<vmem>>, %arg1: memref<10000x2xf32, #tpu.memory_space<vmem>>, %arg2: memref<128x16xf32, #tpu.memory_space<vmem>>, %arg3: memref<10000x16xf32, #tpu.memory_space<vmem>>, %arg4: memref<10000x1xf32, #tpu.memory_space<vmem>>) attributes {dimension_semantics = [], scalar_prefetch = 0 : i64, scratch_operands = 0 : i64, tpu.core_type = #tpu.core_type<tc>} {
    %get3A = arith.constant 0 : index
    %get3A_0 = arith.constant 0 : index
    %get3A_1 = vector.load %arg1[%get3A, %get3A_0] : memref<10000x2xf32, #tpu.memory_space<vmem>>, vector<10000x1xf32>
    %get3A_2 = arith.constant 0 : index
    %get3A_3 = arith.constant 1 : index
    %get3A_4 = vector.load %arg1[%get3A_2, %get3A_3] : memref<10000x2xf32, #tpu.memory_space<vmem>>, vector<10000x1xf32>
    %add3A = arith.addf %get3A_1, %get3A_4 : vector<10000x1xf32>
    %add3A_5 = arith.constant 1.000000e+00 : f32
    %add3A_6 = vector.broadcast %add3A_5 : f32 to vector<10000x1xf32>
    %add3A_7 = arith.addf %add3A, %add3A_6 : vector<10000x1xf32>
    %rsqrt3A = math.rsqrt %add3A_7 : vector<10000x1xf32>
    %get3A_8 = arith.constant 0 : index
    %get3A_9 = arith.constant 0 : index
    %get3A_10 = vector.load %arg0[%get3A_8, %get3A_9] : memref<10000x1xi32, #tpu.memory_space<vmem>>, vector<10000x1xi32>
    %iota3A = tpu.iota {dimensions = array<i32: 1>} : vector<10000x128xi32>
    %eq3A = vector.broadcast %get3A_10 : vector<10000x1xi32> to vector<10000x128xi32>
    %eq3A_11 = arith.cmpi eq, %eq3A, %iota3A : vector<10000x128xi32>
    %convert_element_type3A = arith.extui %eq3A_11 : vector<10000x128xi1> to vector<10000x128xi32>
    %convert_element_type3A_12 = arith.sitofp %convert_element_type3A : vector<10000x128xi32> to vector<10000x128xf32>
    %get3A_13 = arith.constant 0 : index
    %get3A_14 = arith.constant 0 : index
    %get3A_15 = vector.load %arg2[%get3A_13, %get3A_14] : memref<128x16xf32, #tpu.memory_space<vmem>>, vector<128x16xf32>
    %dot_general3A = arith.constant dense<0.000000e+00> : vector<10000x16xf32>
    %dot_general3A_16 = tpu.matmul %convert_element_type3A_12, %get3A_15, %dot_general3A {dimension_numbers = #tpu.dot_dimension_numbers<[1], [0], [0], [1], [0, 0, 1, 1], [], []>, transpose_lhs_hint = false} : vector<10000x128xf32>, vector<128x16xf32>, vector<10000x16xf32> -> vector<10000x16xf32>
    %mul3A = vector.broadcast %rsqrt3A : vector<10000x1xf32> to vector<10000x16xf32>
    %mul3A_17 = arith.mulf %dot_general3A_16, %mul3A : vector<10000x16xf32>
    %swap3A = arith.constant 0 : index
    %swap3A_18 = arith.constant 0 : index
    %swap3A_19 = vector.load %arg3[%swap3A, %swap3A_18] : memref<10000x16xf32, #tpu.memory_space<vmem>>, vector<10000x16xf32>
    tpu.vector_store %arg3[%swap3A, %swap3A_18], %mul3A_17 {strides = array<i32>} : memref<10000x16xf32, #tpu.memory_space<vmem>>, vector<10000x16xf32>,
    %swap3A_20 = arith.constant 0 : index
    %swap3A_21 = arith.constant 0 : index
    %swap3A_22 = vector.load %arg4[%swap3A_20, %swap3A_21] : memref<10000x1xf32, #tpu.memory_space<vmem>>, vector<10000x1xf32>
    tpu.vector_store %arg4[%swap3A_20, %swap3A_21], %rsqrt3A {strides = array<i32>} : memref<10000x1xf32, #tpu.memory_space<vmem>>, vector<10000x1xf32>,
    return
  }
}

module attributes {stable_mosaic.version = 14 : i64} {
  func.func @_k4_body(%arg0: memref<10000x16xf32, #tpu.memory_space<vmem>>, %arg1: memref<2x10240x16xf32, #tpu.memory_space<vmem>>, %arg2: memref<10000x1xf32, #tpu.memory_space<vmem>>, %arg3: memref<1x16xf32, #tpu.memory_space<vmem>>, %arg4: memref<16x8xf32, #tpu.memory_space<vmem>>, %arg5: memref<10000x8xf32, #tpu.memory_space<vmem>>) attributes {dimension_semantics = [], scalar_prefetch = 0 : i64, scratch_operands = 0 : i64, tpu.core_type = #tpu.core_type<tc>} {
    %get3A = arith.constant 0 : index
    %get3A_0 = arith.constant 0 : index
    %get3A_1 = vector.load %arg2[%get3A, %get3A_0] : memref<10000x1xf32, #tpu.memory_space<vmem>>, vector<10000x1xf32>
    %get3A_2 = arith.constant 0 : index
    %get3A_3 = arith.constant 0 : index
    %get3A_4 = vector.load %arg0[%get3A_2, %get3A_3] : memref<10000x16xf32, #tpu.memory_space<vmem>>, vector<10000x16xf32>
    %get3A_5 = arith.constant 0 : index
    %get3A_6 = arith.constant 0 : index
    %get3A_7 = arith.constant 0 : index
    %get3A_8 = vector.load %arg1[%get3A_5, %get3A_6, %get3A_7] : memref<2x10240x16xf32, #tpu.memory_space<vmem>>, vector<1x10000x16xf32>
    %get3A_9 = vector.shape_cast %get3A_8 : vector<1x10000x16xf32> to vector<10000x16xf32>
    %add3A = arith.addf %get3A_4, %get3A_9 : vector<10000x16xf32>
    %get3A_10 = arith.constant 1 : index
    %get3A_11 = arith.constant 0 : index
    %get3A_12 = arith.constant 0 : index
    %get3A_13 = vector.load %arg1[%get3A_10, %get3A_11, %get3A_12] : memref<2x10240x16xf32, #tpu.memory_space<vmem>>, vector<1x10000x16xf32>
    %get3A_14 = vector.shape_cast %get3A_13 : vector<1x10000x16xf32> to vector<10000x16xf32>
    %add3A_15 = arith.addf %add3A, %get3A_14 : vector<10000x16xf32>
    %mul3A = vector.broadcast %get3A_1 : vector<10000x1xf32> to vector<10000x16xf32>
    %mul3A_16 = arith.mulf %add3A_15, %mul3A : vector<10000x16xf32>
    %get3A_17 = arith.constant 0 : index
    %get3A_18 = arith.constant 0 : index
    %get3A_19 = vector.load %arg3[%get3A_17, %get3A_18] : memref<1x16xf32, #tpu.memory_space<vmem>>, vector<1x16xf32>
    %add3A_20 = vector.broadcast %get3A_19 : vector<1x16xf32> to vector<10000x16xf32>
    %add3A_21 = arith.addf %mul3A_16, %add3A_20 : vector<10000x16xf32>
    %max3A = arith.constant 0.000000e+00 : f32
    %max3A_22 = vector.broadcast %max3A : f32 to vector<10000x16xf32>
    %max3A_23 = arith.maximumf %add3A_21, %max3A_22 : vector<10000x16xf32>
    %get3A_24 = arith.constant 0 : index
    %get3A_25 = arith.constant 0 : index
    %get3A_26 = vector.load %arg4[%get3A_24, %get3A_25] : memref<16x8xf32, #tpu.memory_space<vmem>>, vector<16x8xf32>
    %dot_general3A = arith.constant dense<0.000000e+00> : vector<10000x8xf32>
    %dot_general3A_27 = tpu.matmul %max3A_23, %get3A_26, %dot_general3A {dimension_numbers = #tpu.dot_dimension_numbers<[1], [0], [0], [1], [0, 0, 1, 1], [], []>, transpose_lhs_hint = false} : vector<10000x16xf32>, vector<16x8xf32>, vector<10000x8xf32> -> vector<10000x8xf32>
    %mul3A_28 = vector.broadcast %get3A_1 : vector<10000x1xf32> to vector<10000x8xf32>
    %mul3A_29 = arith.mulf %dot_general3A_27, %mul3A_28 : vector<10000x8xf32>
    %swap3A = arith.constant 0 : index
    %swap3A_30 = arith.constant 0 : index
    %swap3A_31 = vector.load %arg5[%swap3A, %swap3A_30] : memref<10000x8xf32, #tpu.memory_space<vmem>>, vector<10000x8xf32>
    tpu.vector_store %arg5[%swap3A, %swap3A_30], %mul3A_29 {strides = array<i32>} : memref<10000x8xf32, #tpu.memory_space<vmem>>, vector<10000x8xf32>,
    return
  }
}

module attributes {stable_mosaic.version = 14 : i64} {
  func.func @_k6a_body(%arg0: memref<10000x8xf32, #tpu.memory_space<vmem>>, %arg1: memref<2x10240x8xf32, #tpu.memory_space<vmem>>, %arg2: memref<10000x1xf32, #tpu.memory_space<vmem>>, %arg3: memref<1x8xf32, #tpu.memory_space<vmem>>, %arg4: memref<10000x8xf32, #tpu.memory_space<vmem>>) attributes {dimension_semantics = [], scalar_prefetch = 0 : i64, scratch_operands = 0 : i64, tpu.core_type = #tpu.core_type<tc>} {
    %get3A = arith.constant 0 : index
    %get3A_0 = arith.constant 0 : index
    %get3A_1 = vector.load %arg0[%get3A, %get3A_0] : memref<10000x8xf32, #tpu.memory_space<vmem>>, vector<10000x8xf32>
    %get3A_2 = arith.constant 0 : index
    %get3A_3 = arith.constant 0 : index
    %get3A_4 = arith.constant 0 : index
    %get3A_5 = vector.load %arg1[%get3A_2, %get3A_3, %get3A_4] : memref<2x10240x8xf32, #tpu.memory_space<vmem>>, vector<1x10000x8xf32>
    %get3A_6 = vector.shape_cast %get3A_5 : vector<1x10000x8xf32> to vector<10000x8xf32>
    %add3A = arith.addf %get3A_1, %get3A_6 : vector<10000x8xf32>
    %get3A_7 = arith.constant 1 : index
    %get3A_8 = arith.constant 0 : index
    %get3A_9 = arith.constant 0 : index
    %get3A_10 = vector.load %arg1[%get3A_7, %get3A_8, %get3A_9] : memref<2x10240x8xf32, #tpu.memory_space<vmem>>, vector<1x10000x8xf32>
    %get3A_11 = vector.shape_cast %get3A_10 : vector<1x10000x8xf32> to vector<10000x8xf32>
    %add3A_12 = arith.addf %add3A, %get3A_11 : vector<10000x8xf32>
    %get3A_13 = arith.constant 0 : index
    %get3A_14 = arith.constant 0 : index
    %get3A_15 = vector.load %arg2[%get3A_13, %get3A_14] : memref<10000x1xf32, #tpu.memory_space<vmem>>, vector<10000x1xf32>
    %mul3A = vector.broadcast %get3A_15 : vector<10000x1xf32> to vector<10000x8xf32>
    %mul3A_16 = arith.mulf %add3A_12, %mul3A : vector<10000x8xf32>
    %get3A_17 = arith.constant 0 : index
    %get3A_18 = arith.constant 0 : index
    %get3A_19 = vector.load %arg3[%get3A_17, %get3A_18] : memref<1x8xf32, #tpu.memory_space<vmem>>, vector<1x8xf32>
    %add3A_20 = vector.broadcast %get3A_19 : vector<1x8xf32> to vector<10000x8xf32>
    %add3A_21 = arith.addf %mul3A_16, %add3A_20 : vector<10000x8xf32>
    %swap3A = arith.constant 0 : index
    %swap3A_22 = arith.constant 0 : index
    %swap3A_23 = vector.load %arg4[%swap3A, %swap3A_22] : memref<10000x8xf32, #tpu.memory_space<vmem>>, vector<10000x8xf32>
    tpu.vector_store %arg4[%swap3A, %swap3A_22], %add3A_21 {strides = array<i32>} : memref<10000x8xf32, #tpu.memory_space<vmem>>, vector<10000x8xf32>,
    return
  }
}

module attributes {stable_mosaic.version = 14 : i64} {
  func.func @_k6b_body(%arg0: i32, %arg1: memref<10000x8xf32, #tpu.memory_space<vmem>>, %arg2: memref<10000x1xi32, #tpu.memory_space<vmem>>, %arg3: memref<1x1x8xf32, #tpu.memory_space<vmem>>) attributes {dimension_semantics = [#tpu.dimension_semantics<arbitrary>], iteration_bounds = array<i64: 128>, scalar_prefetch = 0 : i64, scratch_operands = 0 : i64, tpu.core_type = #tpu.core_type<tc>, window_params = [{pipeline_mode = #tpu.pipeline_mode<synchronous>, transform_indices = @transform_0, window_bounds = array<i64: 10000, 8>}, {pipeline_mode = #tpu.pipeline_mode<synchronous>, transform_indices = @transform_1, window_bounds = array<i64: 10000, 1>}, {transform_indices = @transform_2, window_bounds = array<i64: 1, 1, 8>}]} {
    %get3A = arith.constant 0 : index
    %get3A_0 = arith.constant 0 : index
    %get3A_1 = vector.load %arg2[%get3A, %get3A_0] : memref<10000x1xi32, #tpu.memory_space<vmem>>, vector<10000x1xi32>
    %eq3A = vector.broadcast %arg0 : i32 to vector<10000x1xi32>
    %eq3A_2 = arith.cmpi eq, %get3A_1, %eq3A : vector<10000x1xi32>
    %get3A_3 = arith.constant 0 : index
    %get3A_4 = arith.constant 0 : index
    %get3A_5 = vector.load %arg1[%get3A_3, %get3A_4] : memref<10000x8xf32, #tpu.memory_space<vmem>>, vector<10000x8xf32>
    %jit3A = arith.constant -3.000000e+38 : f32
    %broadcast_in_dim3A = vector.shape_cast %eq3A_2 : vector<10000x1xi1> to vector<10000x1xi1>
    %broadcast_in_dim3A_6 = vector.broadcast %broadcast_in_dim3A : vector<10000x1xi1> to vector<10000x8xi1>
    %broadcast_in_dim3A_7 = vector.broadcast %jit3A : f32 to vector<10000x8xf32>
    %select_n3A = arith.select %broadcast_in_dim3A_6, %get3A_5, %broadcast_in_dim3A_7 : vector<10000x8xi1>, vector<10000x8xf32>
    %reduce_max3A = arith.constant dense<0xFF800000> : vector<8xf32>
    %reduce_max3A_8 = vector.multi_reduction <maximumf>, %select_n3A, %reduce_max3A [0] : vector<10000x8xf32> to vector<8xf32>
    %reshape3A = vector.shape_cast %reduce_max3A_8 : vector<8xf32> to vector<1x1x8xf32>
    %swap3A = arith.constant 0 : index
    %swap3A_9 = arith.constant 0 : index
    %swap3A_10 = arith.constant 0 : index
    %swap3A_11 = vector.load %arg3[%swap3A, %swap3A_9, %swap3A_10] : memref<1x1x8xf32, #tpu.memory_space<vmem>>, vector<1x1x8xf32>
    tpu.vector_store %arg3[%swap3A, %swap3A_9, %swap3A_10], %reshape3A {strides = array<i32>} : memref<1x1x8xf32, #tpu.memory_space<vmem>>, vector<1x1x8xf32>,
    return
  }
  func.func @transform_0(%arg0: i32) -> (i32, i32) {
    %c0_i32 = arith.constant 0 : i32
    %c0_i32_0 = arith.constant 0 : i32
    %c0_i32_1 = arith.constant 0 : i32
    return %c0_i32, %c0_i32_0 : i32, i32
  }
  func.func @transform_1(%arg0: i32) -> (i32, i32) {
    %c0_i32 = arith.constant 0 : i32
    %c0_i32_0 = arith.constant 0 : i32
    %c0_i32_1 = arith.constant 0 : i32
    return %c0_i32, %c0_i32_0 : i32, i32
  }
  func.func @transform_2(%arg0: i32) -> (i32, i32, i32) {
    %c0_i32 = arith.constant 0 : i32
    %c0_i32_0 = arith.constant 0 : i32
    %c0_i32_1 = arith.constant 0 : i32
    return %arg0, %c0_i32, %c0_i32_0 : i32, i32, i32
  }
}

module attributes {stable_mosaic.version = 14 : i64} {
  func.func @_k7_body(%arg0: memref<128x8xf32, #tpu.memory_space<vmem>>, %arg1: memref<8x1xf32, #tpu.memory_space<vmem>>, %arg2: memref<1x1xf32, #tpu.memory_space<vmem>>, %arg3: memref<128x1xf32, #tpu.memory_space<vmem>>) attributes {dimension_semantics = [], scalar_prefetch = 0 : i64, scratch_operands = 0 : i64, tpu.core_type = #tpu.core_type<tc>} {
    %get3A = arith.constant 0 : index
    %get3A_0 = arith.constant 0 : index
    %get3A_1 = vector.load %arg0[%get3A, %get3A_0] : memref<128x8xf32, #tpu.memory_space<vmem>>, vector<128x8xf32>
    %get3A_2 = arith.constant 0 : index
    %get3A_3 = arith.constant 0 : index
    %get3A_4 = vector.load %arg1[%get3A_2, %get3A_3] : memref<8x1xf32, #tpu.memory_space<vmem>>, vector<8x1xf32>
    %dot_general3A = arith.constant dense<0.000000e+00> : vector<128x1xf32>
    %dot_general3A_5 = tpu.matmul %get3A_1, %get3A_4, %dot_general3A {dimension_numbers = #tpu.dot_dimension_numbers<[1], [0], [0], [1], [0, 0, 1, 1], [], []>, transpose_lhs_hint = false} : vector<128x8xf32>, vector<8x1xf32>, vector<128x1xf32> -> vector<128x1xf32>
    %get3A_6 = arith.constant 0 : index
    %get3A_7 = arith.constant 0 : index
    %get3A_8 = vector.load %arg2[%get3A_6, %get3A_7] : memref<1x1xf32, #tpu.memory_space<vmem>>, vector<1x1xf32>
    %add3A = vector.broadcast %get3A_8 : vector<1x1xf32> to vector<128x1xf32>
    %add3A_9 = arith.addf %dot_general3A_5, %add3A : vector<128x1xf32>
    %swap3A = arith.constant 0 : index
    %swap3A_10 = arith.constant 0 : index
    %swap3A_11 = vector.load %arg3[%swap3A, %swap3A_10] : memref<128x1xf32, #tpu.memory_space<vmem>>, vector<128x1xf32>
    tpu.vector_store %arg3[%swap3A, %swap3A_10], %add3A_9 {strides = array<i32>} : memref<128x1xf32, #tpu.memory_space<vmem>>, vector<128x1xf32>,
    return
  }
}

</mosaic_0001>

<sc_bundles>
// kernel: kernel.10.cloned.1.call-start
scs
__scs_entry_jumppad:
0x0: {  	(pc) =	sbr.rel $0x88, $3  }
0x1: {  	(tag) =	ssettag $0x0;
	lr =	simm.s32 $0x1  }
0x2: {  	[smem:$0x3F98] =	sst lr;
	_ =	strace $0xD0000000  }
0x3: {  	_ = 	snop  }
0x4: {  	_ = 	snop  }
0x5: {  	_ = 	snop  }
0x6: {  	_ = 	snop  }
0x7: {  	_ = 	snop  }
__scs_overlays_trampoline_lowered:
0x8: {  	[smem:$0x3FA7] =	sst s0  }
0x9: {  	[smem:$0x3FA8] =	sst s1  }
0xa: {  	[smem:$0x3FA9] =	sst s2  }
0xb: {  	[smem:$0x3FAA] =	sst s3  }
0xc: {  	[smem:$0x3FAB] =	sst s4  }
0xd: {  	[smem:$0x3FAC] =	sst s5  }
0xe: {  	[smem:$0x3FAD] =	sst s6  }
0xf: {  	[smem:$0x3FAE] =	sst s7  }
0x10: {  	[smem:$0x3FAF] =	sst s8  }
0x11: {  	[smem:$0x3FB0] =	sst s9;
	s0 =	simm.s32 @!p0 $0x0  }
0x12: {  	s1 =	sld [smem:$0x3F96];
	s0 =	simm.s32 @p0 $0x1  }
0x13: {  	[smem:$0x3FB1] =	sst s0;
	s0 =	simm.s32 @!p1 $0x0  }
0x14: {  	s2 =	sld [smem:$0x3F95];
	s0 =	simm.s32 @p1 $0x1  }
0x15: {  	[smem:$0x3FB2] =	sst s0;
	s0 =	simm.s32 @!p2 $0x0  }
0x16: {  	s3 =	sld [smem:$0x3FDB];
	s0 =	simm.s32 @p2 $0x1  }
0x17: {  	s4 =	simm.s32 $0x1BF5;
	[smem:$0x3FB4] =	sst s0  }
0x18: {  	s0 =	sld [smem:$0x3F97];
	_ =	swait.ge [sflag:s4], $0x0  }
0x19: {  	s7 =	sld [smem:$0x3F98]  }
0x1a: {  	s8 =	sadd.s32 $0xFFFFE003, lr  }
0x1b: {  	s9 =	sadd.s32 $0xFFFFFEF7, lr;
	s5 =	simm.s32 $0xFFFFFFFF;
	p2 =	slt.u32 s8, $0xFFFFF086  }
0x1c: {  	p1 =	slt.u32 s9, $0xF7A;
	s5 =	simm.s32 @!p2 $0x0  }
0x1d: {  	s5 =	simm.s32 @p1 $0x1;
	p0 =	seq.s32 s7, s2  }
0x1e: {  	s7 =	smul.u32 @!p0 $0xF7A, s2;
	p2 =	seq.s32 @!p0 s5, $0x0  }
0x1f: {  	s9 =	smul.u32 $0xF7A, s1;
	s8 =	simm.s32 @!p0 $0x1BF5;
	p2 =	por !p2, p0  }
0x20: {  	[sflag:s8] =	ssyncset.s32 @!p0 $0xFFFFF086;
	s6 =	sadd.s32 @!p0 s3, s7;
	s7 =	simm.s32 @!p0 $0x108  }
0x21: {  	s3 =	sadd.s32 s3, s9;
	s6 =	sadd.s32 @!p0 $0x88, s6;
	s7 =	simm.s32 @p2 $0x1082  }
0x22: {  	[simem:s7], [sflag:s8] =	dma.local @!p0 [hbm:s6], $0xF7A  }
0x23: {  	s9 =	sor.u32 $0xD0000000, s2;
	s6 =	simm.s32 $0x108;
	_ =	swait.ge @!p0 [sflag:s8], $0x0  }
0x24: {  	s3 =	sadd.s32 $0x88, s3;
	s6 =	simm.s32 @!p1 $0x1082;
	[sflag:s4] =	ssyncset.s32 $0xFFFFF086  }
0x25: {  	[simem:s6], [sflag:s4] =	dma.local [hbm:s3], $0xF7A  }
0x26: {  	[smem:$0x3F98] =	sst s1;
	(tag) =	ssettag s2;
	_ =	strace s9  }
0x27: {  	s1 =	sld [smem:$0x3FA8]  }
0x28: {  	s2 =	sld [smem:$0x3FA9]  }
0x29: {  	s4 =	sld [smem:$0x3FAB]  }
0x2a: {  	p0 =	seq.s32 s5, $0x0;
	s5 =	sld [smem:$0x3FAC]  }
0x2b: {  	s6 =	sld [smem:$0x3FAD]  }
0x2c: {  	s7 =	sld [smem:$0x3FAE]  }
0x2d: {  	s3 =	simm.s32 $0x108;
	s8 =	sld [smem:$0x3FAF]  }
0x2e: {  	s3 =	simm.s32 @!p0 $0x1082;
	s9 =	sld [smem:$0x3FB0]  }
0x2f: {  	lr =	sadd.s32 s0, s3;
	s0 =	sld [smem:$0x3FA7]  }
0x30: {  	s3 =	sld [smem:$0x3FAA]  }
0x31: {  	[smem:$0x3FB3] =	sst s10  }
0x32: {  	s10 =	sld [smem:$0x3FB1];
	_ =	sdelay $0x3  }
0x33: {  	p0 =	seq.s32 s10, $0x1;
	s10 =	sld [smem:$0x3FB3];
	_ =	sdelay $0x3  }
0x34: {  	[smem:$0x3FB3] =	sst s10  }
0x35: {  	s10 =	sld [smem:$0x3FB2];
	_ =	sdelay $0x3  }
0x36: {  	p1 =	seq.s32 s10, $0x1;
	s10 =	sld [smem:$0x3FB3];
	_ =	sdelay $0x3  }
0x37: {  	[smem:$0x3FB3] =	sst s10  }
0x38: {  	s10 =	sld [smem:$0x3FB4]  }
0x39: {  	_ = 	snop;
	(pc) =	sbr.ind lr, $3  }
0x3a: {  	_ = 	snop  }
0x3b: {  	_ = 	snop  }
0x3c: {  	p2 =	seq.s32 s10, $0x1;
	s10 =	sld [smem:$0x3FB3]  }
0x3d: {  	_ =	shalt  }
0x3e: {  	_ =	shalt  }
0x3f: {  	_ =	shalt  }
0x40: {  	_ =	shalt  }
0x41: {  	_ =	shalt  }
0x42: {  	_ =	shalt  }
0x43: {  	_ =	shalt  }
0x44: {  	_ =	shalt  }
0x45: {  	_ =	shalt  }
0x46: {  	_ =	shalt  }
0x47: {  	_ =	shalt  }
0x48: {  	_ =	shalt  }
0x49: {  	_ =	shalt  }
0x4a: {  	_ =	shalt  }
0x4b: {  	_ =	shalt  }
0x4c: {  	_ =	shalt  }
0x4d: {  	_ =	shalt  }
0x4e: {  	_ =	shalt  }
0x4f: {  	_ =	shalt  }
0x50: {  	_ =	shalt  }
0x51: {  	_ =	shalt  }
0x52: {  	_ =	shalt  }
0x53: {  	_ =	shalt  }
0x54: {  	_ =	shalt  }
0x55: {  	_ =	shalt  }
0x56: {  	_ =	shalt  }
0x57: {  	_ =	shalt  }
0x58: {  	_ =	shalt  }
0x59: {  	_ =	shalt  }
0x5a: {  	_ =	shalt  }
0x5b: {  	_ =	shalt  }
0x5c: {  	_ =	shalt  }
0x5d: {  	_ =	shalt  }
0x5e: {  	_ =	shalt  }
0x5f: {  	_ =	shalt  }
0x60: {  	_ =	shalt  }
0x61: {  	_ =	shalt  }
0x62: {  	_ =	shalt  }
0x63: {  	_ =	shalt  }
0x64: {  	_ =	shalt  }
0x65: {  	_ =	shalt  }
0x66: {  	_ =	shalt  }
0x67: {  	_ =	shalt  }
0x68: {  	_ =	shalt  }
0x69: {  	_ =	shalt  }
0x6a: {  	_ =	shalt  }
0x6b: {  	_ =	shalt  }
0x6c: {  	_ =	shalt  }
0x6d: {  	_ =	shalt  }
0x6e: {  	_ =	shalt  }
0x6f: {  	_ =	shalt  }
0x70: {  	_ =	shalt  }
0x71: {  	_ =	shalt  }
0x72: {  	_ =	shalt  }
0x73: {  	_ =	shalt  }
0x74: {  	_ =	shalt  }
0x75: {  	_ =	shalt  }
0x76: {  	_ =	shalt  }
0x77: {  	_ =	shalt  }
0x78: {  	_ =	shalt  }
0x79: {  	_ =	shalt  }
0x7a: {  	_ =	shalt  }
0x7b: {  	_ =	shalt  }
0x7c: {  	_ =	shalt  }
0x7d: {  	_ =	shalt  }
0x7e: {  	_ =	shalt  }
0x7f: {  	_ =	shalt  }
0x80: {  	_ =	shalt  }
0x81: {  	_ =	shalt  }
0x82: {  	_ =	shalt  }
0x83: {  	_ =	shalt  }
0x84: {  	_ =	shalt  }
0x85: {  	_ =	shalt  }
0x86: {  	_ =	shalt  }
0x87: {  	_ =	shalt  }
.Lfunc_end0:
.L_simem_size_0:
called_computation_lowered:
.L_overlay_start_0:
0x88: {  	s2 =	sld [smem:$0x3FD9]  }
0x89: {  	s3 =	sld [smem:$0x3FFE];
	_ =	sdelay $0x1  }
0x8a: {  	s1 =	srdreg.scid  }
0x8b: {  	s0 =	sand.u32 $0x1, s1  }
0x8c: {  	s16 =	sshll.u32 s0, $0xA;
	s2 =	sadd.s32 s3, s2  }
0x8d: {  	s2 =	sadd.s32 s2, s16  }
0x8e: {  	[smem:$0x3FBF] =	sst s2  }
0x8f: {  	_ = 	snop  }
0x90: {  	(tm) =	ssettm $0x1  }
0x91: {  	s17 =	sld [smem:$0x3FFB];
	_ =	sdelay $0x3  }
0x92: {  	_ =	strace s17  }
0x93: {  	s2 =	sld [smem:$0x3FFC];
	_ =	sdelay $0x3  }
0x94: {  	_ =	strace s2  }
0x95: {  	s2 =	sld [smem:$0x3FFD];
	_ =	sdelay $0x3  }
0x96: {  	_ =	strace s2  }
0x97: {  	_ =	strace $0x8FFFFFFF  }
0x98: {  	s18 =	sld [smem:$0x3FDB];
	_ =	sdelay $0x1  }
0x99: {  	s19 =	simm.s32 $_scs_section_size  }
0x9a: {  	s4 =	simm.s32 $_size__tile_overlayer_lowered;
	s5 =	simm.s32 $_tile_overlayer_lowered  }
0x9b: {  	s22 =	simm.s32 $0x1BFF;
	s21 =	sshll.u32 s5, $0x1;
	s2 =	sadd.s32 s19, s18  }
0x9c: {  	s6 =	simm.s32 $0x0;
	s20 =	sshll.u32 s4, $0x1;
	s4 =	sadd.s32 s21, s2  }
0x9d: {  	[timem:s6], [sflag:s22] =	dma.local [hbm:s4], s20  }
0x9e: {  	_ =	swait.ge [sflag:s22], s20  }
0x9f: {  	s3 =	ssub.s32 $0x0, s20;
	[sflag:s22] =	ssyncset.done $0x0  }
0xa0: {  	[sflag:s22] =	ssyncadd.s32 s3;
	_ =	sdelay $0x1  }
0xa1: {  	s23 =	simm.s32 $0x1B8B  }
0xa2: {  	_ =	swait.ge [sflag:s23], $0x1  }
0xa3: {  	[sflag:s23] =	ssyncset.done $0x0  }
0xa4: {  	s25 =	simm.s32 $0x1B8E;
	s24 =	sld [smem:$0x3FFE];
	[sflag:s23] =	ssyncadd.s32 $0xFFFFFFFF  }
0xa5: {  	s26 =	simm.s32 $execute0_lowered;
	[smem:$0x3FD2] =	sst s25  }
0xa6: {  	s4 =	sshll.u32 s26, $0x1;
	_ =	strace $0x80000046;
	[dreg:$0x1] =	wrdreg $0xFFFFFFFF  }
0xa7: {  	s28 =	simm.s32 $_size_execute0_lowered;
	s2 =	sadd.s32 s2, s4;
	[dreg:$0x0] =	wrdreg $0x0  }
0xa8: {  	s4 =	sshll.u32 s28, $0x1;
	[dreg:$0x2] =	wrdreg s2  }
0xa9: {  	[dreg:$0x3] =	wrdreg s4  }
0xaa: {  	[dreg:$0x4] =	wrdreg $0xC0  }
0xab: {  	_ =	task [dreg:s6], $0x5FFFF  }
0xac: {  	[dreg:$0x1] =	wrdreg $0xFFFFFFFF  }
0xad: {  	[dreg:$0x0] =	wrdreg $0x60  }
0xae: {  	[dreg:$0x2] =	wrdreg s24  }
0xaf: {  	[dreg:$0x3] =	wrdreg $0x4E200  }
0xb0: {  	[dreg:$0x4] =	wrdreg $0x9  }
0xb1: {  	_ =	task.clear_ibuf [dreg:s6], $0x5FFFF;
	_ =	strace $0x90000046  }
0xb2: {  	s29 =	simm.s32 $0x9;
	_ =	strace $0x80000048  }
0xb3: {  	_ =	swait.ge [sflag:s29], $0x1  }
0xb4: {  	[sflag:s29] =	ssyncadd.s32 $0xFFFFFFFF  }
0xb5: {  	_ =	strace $0x90000048  }
0xb6: {  	_ =	sfence  }
0xb7: {  	s30 =	sld [smem:$0x0];
	_ =	sdelay $0x2  }
0xb8: {  	s31 =	sshll.u32 s1, $0xD;
	s1 =	sshrl.u32 s1, $0x2  }
0xb9: {  	s3 =	sand.u32 $0x4000, s31;
	s1 =	sadd.s32 s1, s30  }
0xba: {  	s0 =	sor.u32 s3, s0;
	s1 =	sshll.u32 s1, $0x11  }
0xbb: {  	s0 =	sor.u32 s1, s0  }
0xbc: {  	s0 =	sadd.s32 $0x8F2B, s0  }
0xbd: {  	[sflag:s0] =	ssyncadd.remote.s32 $0x1  }
0xbe: {  	_ =	sfence.sel $0xFFFF  }
0xbf: {  	[dreg:$0x0] =	wrdreg $0xFFFFFFFF;
	(pc) =	sbr.abs _section_cstart, $3  }
0xc0: {  	[dreg:$0x1] =	wrdreg $0xFFFFFFFF  }
0xc1: {  	_ =	task.clear_ibuf [dreg:s6], $0x2FFFF;
	_ =	strace $0x9FFFFFFF  }
0xc2: {  	(tm) =	ssettm $0x7FFFFFFF  }
0xc3: {  	_ =	shalt  }
tec
execute0_lowered:
.L_overlay_start_1:
0x0: {  	(tag) =	ssettag $0x1  }
0x1: {  	s11 =	rddreg [dreg:$0x0]  }
0x2: {  	s1 =	rddreg [dreg:$0x1]  }
0x3: {  	s0 =	rddreg [dreg:$0x2];
	s3 =	simm.s32 $0x0;
	s4 =	srdreg.scid  }
0x4: {  	s2 =	stileid.u32;
	s6 =	simm.s32 $0x2710;
	s5 =	simm.s32 $0x1  }
0x5: {  	[smem:$0x7FF] =	sst s3;
	s12 =	sand.u32 $0x1, s4;
	s7 =	sshll.u32 s2, $0x1  }
0x6: {  	s4 =	sadd.s32 $0x14600, s11;
	s13 =	smul.u32 $0x280, s2;
	_ =	strace $0x80000047  }
0x7: {  	[tilespmem:s6], [sflag:$0x1] =	stream.linear.gather [hbm4b:s4+s3], $0x2710, $0x38;
	[tilespmem:$0x50A0] =	vst v63  }
0x8: {  	s8 =	sshll.u32 s2, $0x6;
	s10 =	sor.u32 s12, s7;
	_ =	swait.ge [sflag:s5], $0x2710  }
0x9: {  	s7 =	sadd.s32 $0x14C00, s11;
	s9 =	sadd.s32 s13, s1;
	[sflag:s5] =	ssyncset.done $0x0  }
0xa: {  	s8 =	sor.u32 $0x1C01, s8;
	s9 =	sshrl.u32 s9, $0x3;
	[sflag:s5] =	ssyncadd.s32 $0xFFFFD8F0  }
0xb: {  	[spmem:s9], [sflag:s8] =	dma.local [hbm:s7], $0x50  }
0xc: {  	s10 =	smul.u32 $0x4E2, s10;
	_ =	swait.ge [sflag:s5], $0x50  }
0xd: {  	[sflag:s5] =	ssyncset.done $0x0  }
0xe: {  	s10 =	sadd.s32 s10, s11;
	[sflag:s5] =	ssyncadd.s32 $0xFFFFFFB0  }
0xf: {  	s10 =	sadd.s32 $0xA800, s10;
	[bflag:$0x0] =	sbarrier.arrive $0xFFFF  }
0x10: {  	[tilespmem:s3], [sflag:$0x1] =	stream.linear.gather [hbm4b:s10+s3], $0x2710, $0x38;
	[tilespmem:$0x50A0] =	vst v63  }
0x11: {  	s14 =	smul.u32 $0x2800, s12;
	s12 =	ssub.s32 $0x2, s12;
	_ =	swait.ge [sflag:s5], $0x2710  }
0x12: {  	s31 =	sshrl.u32 s12, $0x1;
	[sflag:s5] =	ssyncset.done $0x0  }
0x13: {  	s12 =	ssub.s32 s12, s31;
	[sflag:s5] =	ssyncadd.s32 $0xFFFFD8F0  }
0x14: {  	[spmem:s1] =	stream.indirect.scatter.add.f32 [tilespmem:s6], [sflag:$0x1], $0x1, s3, s6, $0xb8;
	[tilespmem:$0x50A0] =	vst v63  }
0x15: {  	s13 =	sadd.s32 s13, s14;
	s12 =	smax.u32 s12, $0x1;
	_ =	swait.ge [sflag:s5], $0x2710  }
0x16: {  	s13 =	sshrl.u32 s13, $0x3;
	p0 =	sne.s32 s12, $0x1;
	[sflag:s5] =	ssyncset.done $0x0  }
.Ltmp0:
0x17: {  	s11 =	sadd.s32 s13, s11;
	[sflag:s5] =	ssyncadd.s32 $0xFFFFD8F0;
	(pc) =	sbr.rel @!p0 .LBB2_2-.Ltmp0, $4  }
0x18: {  	s11 =	sadd.s32 $0x14E00, s11;
	[bflag:$0x0] =	sbarrier.arrive $0xFFFF  }
0x19: {  	[hbm:s11], [sflag:s8] =	dma.local [spmem:s9], $0x50  }
0x1a: {  	_ =	swait.ge [sflag:s5], $0x50  }
0x1b: {  	s12 =	sadd.s32 $0xFFFFFFFF, s12;
	[sflag:s5] =	ssyncset.done $0x0  }
.LBB2_1:
0x1c: {  	p0 =	sne.s32 s12, $0x1;
	s12 =	sadd.s32 $0xFFFFFFFF, s12;
	[sflag:s5] =	ssyncadd.s32 $0xFFFFFFB0  }
0x1d: {  	[tilespmem:s6], [sflag:$0x1] =	stream.linear.gather [hbm4b:s4+s3], $0x2710, $0x38;
	[tilespmem:$0x50A0] =	vst v63  }
0x1e: {  	_ =	swait.ge [sflag:s5], $0x2710  }
0x1f: {  	[sflag:s5] =	ssyncset.done $0x0  }
0x20: {  	[sflag:s5] =	ssyncadd.s32 $0xFFFFD8F0  }
0x21: {  	[spmem:s9], [sflag:s8] =	dma.local [hbm:s7], $0x50  }
0x22: {  	_ =	swait.ge [sflag:s5], $0x50  }
0x23: {  	[sflag:s5] =	ssyncset.done $0x0  }
0x24: {  	[sflag:s5] =	ssyncadd.s32 $0xFFFFFFB0  }
0x25: {  	[bflag:$0x0] =	sbarrier.arrive $0xFFFF  }
0x26: {  	[tilespmem:s3], [sflag:$0x1] =	stream.linear.gather [hbm4b:s10+s3], $0x2710, $0x38;
	[tilespmem:$0x50A0] =	vst v63  }
0x27: {  	_ =	swait.ge [sflag:s5], $0x2710  }
0x28: {  	[sflag:s5] =	ssyncset.done $0x0  }
0x29: {  	[sflag:s5] =	ssyncadd.s32 $0xFFFFD8F0  }
0x2a: {  	[spmem:s1] =	stream.indirect.scatter.add.f32 [tilespmem:s6], [sflag:$0x1], $0x1, s3, s6, $0xb8;
	[tilespmem:$0x50A0] =	vst v63  }
0x2b: {  	_ =	swait.ge [sflag:s5], $0x2710  }
0x2c: {  	[sflag:s5] =	ssyncset.done $0x0  }
.Ltmp1:
0x2d: {  	[sflag:s5] =	ssyncadd.s32 $0xFFFFD8F0;
	(pc) =	sbr.rel @p0 .LBB2_1-.Ltmp1, $4  }
0x2e: {  	[bflag:$0x0] =	sbarrier.arrive $0xFFFF  }
0x2f: {  	[hbm:s11], [sflag:s8] =	dma.local [spmem:s9], $0x50  }
0x30: {  	_ =	swait.ge [sflag:s5], $0x50  }
0x31: {  	[sflag:s5] =	ssyncset.done $0x0  }
.LBB2_2:
0x32: {  	[sflag:s5] =	ssyncadd.s32 $0xFFFFFFB0  }
0x33: {  	_ =	sfence.sel $0x180000  }
0x34: {  	[bflag:$0x0] =	sbarrier.arrive $0xFFFF  }
0x35: {  	p0 =	sne.s32 s2, $0x0;
	_ =	strace $0x90000047  }
0x36: {  	s0 =	sadd.s32 @!p0 $0x100000, s0;
	[bflag:$0x2] =	sbarrier.arrive $0xFFFF  }
0x37: {  	[sflag:s0] =	ssyncadd.tile.s32 @!p0 $0x1;
	_ =	shalt  }
.Lfunc_end2:
_tile_overlayer_lowered:
.L_overlay_start_2:
0x38: {  	(tag) =	ssettag $0x2  }
0x39: {  	s0 =	rddreg [dreg:$0x0];
	s2 =	stileid.u32  }
0x3a: {  	s1 =	rddreg [dreg:$0x1];
	p0 =	sne.s32 s2, $0x0  }
0x3b: {  	s3 =	rddreg [dreg:$0x2];
	[bflag:$0x3] =	sbarrier.arrive $0xFFFF;
	s2 =	simm.s32 @!p0 $0x1C01  }
0x3c: {  	[timem:s3], [sflag:s2] =	dma.local @!p0 [hbm:s0], s1  }
0x3d: {  	s0 =	simm.s32 @!p0 $0x1  }
0x3e: {  	_ =	swait.ge @!p0 [sflag:s0], s1  }
0x3f: {  	s1 =	ssub.s32 @!p0 $0x0, s1;
	[sflag:s0] =	ssyncset.done @!p0 $0x0  }
0x40: {  	[sflag:s0] =	ssyncadd.s32 @!p0 s1  }
0x41: {  	[bflag:$0x3] =	sbarrier.arrive $0xFFFF  }
0x42: {  	_ =	shalt  }

// kernel: kernel.13.cloned.1.call-start
scs
__scs_entry_jumppad:
0x0: {  	(pc) =	sbr.rel $0x88, $3  }
0x1: {  	(tag) =	ssettag $0x0;
	lr =	simm.s32 $0x1  }
0x2: {  	[smem:$0x3F98] =	sst lr;
	_ =	strace $0xD0000000  }
0x3: {  	_ = 	snop  }
0x4: {  	_ = 	snop  }
0x5: {  	_ = 	snop  }
0x6: {  	_ = 	snop  }
0x7: {  	_ = 	snop  }
__scs_overlays_trampoline_lowered:
0x8: {  	[smem:$0x3FA7] =	sst s0  }
0x9: {  	[smem:$0x3FA8] =	sst s1  }
0xa: {  	[smem:$0x3FA9] =	sst s2  }
0xb: {  	[smem:$0x3FAA] =	sst s3  }
0xc: {  	[smem:$0x3FAB] =	sst s4  }
0xd: {  	[smem:$0x3FAC] =	sst s5  }
0xe: {  	[smem:$0x3FAD] =	sst s6  }
0xf: {  	[smem:$0x3FAE] =	sst s7  }
0x10: {  	[smem:$0x3FAF] =	sst s8  }
0x11: {  	[smem:$0x3FB0] =	sst s9;
	s0 =	simm.s32 @!p0 $0x0  }
0x12: {  	s1 =	sld [smem:$0x3F96];
	s0 =	simm.s32 @p0 $0x1  }
0x13: {  	[smem:$0x3FB1] =	sst s0;
	s0 =	simm.s32 @!p1 $0x0  }
0x14: {  	s2 =	sld [smem:$0x3F95];
	s0 =	simm.s32 @p1 $0x1  }
0x15: {  	[smem:$0x3FB2] =	sst s0;
	s0 =	simm.s32 @!p2 $0x0  }
0x16: {  	s3 =	sld [smem:$0x3FDB];
	s0 =	simm.s32 @p2 $0x1  }
0x17: {  	s4 =	simm.s32 $0x1BF5;
	[smem:$0x3FB4] =	sst s0  }
0x18: {  	s0 =	sld [smem:$0x3F97];
	_ =	swait.ge [sflag:s4], $0x0  }
0x19: {  	s7 =	sld [smem:$0x3F98]  }
0x1a: {  	s8 =	sadd.s32 $0xFFFFE003, lr  }
0x1b: {  	s9 =	sadd.s32 $0xFFFFFEF7, lr;
	s5 =	simm.s32 $0xFFFFFFFF;
	p2 =	slt.u32 s8, $0xFFFFF086  }
0x1c: {  	p1 =	slt.u32 s9, $0xF7A;
	s5 =	simm.s32 @!p2 $0x0  }
0x1d: {  	s5 =	simm.s32 @p1 $0x1;
	p0 =	seq.s32 s7, s2  }
0x1e: {  	s7 =	smul.u32 @!p0 $0xF7A, s2;
	p2 =	seq.s32 @!p0 s5, $0x0  }
0x1f: {  	s9 =	smul.u32 $0xF7A, s1;
	s8 =	simm.s32 @!p0 $0x1BF5;
	p2 =	por !p2, p0  }
0x20: {  	[sflag:s8] =	ssyncset.s32 @!p0 $0xFFFFF086;
	s6 =	sadd.s32 @!p0 s3, s7;
	s7 =	simm.s32 @!p0 $0x108  }
0x21: {  	s3 =	sadd.s32 s3, s9;
	s6 =	sadd.s32 @!p0 $0x88, s6;
	s7 =	simm.s32 @p2 $0x1082  }
0x22: {  	[simem:s7], [sflag:s8] =	dma.local @!p0 [hbm:s6], $0xF7A  }
0x23: {  	s9 =	sor.u32 $0xD0000000, s2;
	s6 =	simm.s32 $0x108;
	_ =	swait.ge @!p0 [sflag:s8], $0x0  }
0x24: {  	s3 =	sadd.s32 $0x88, s3;
	s6 =	simm.s32 @!p1 $0x1082;
	[sflag:s4] =	ssyncset.s32 $0xFFFFF086  }
0x25: {  	[simem:s6], [sflag:s4] =	dma.local [hbm:s3], $0xF7A  }
0x26: {  	[smem:$0x3F98] =	sst s1;
	(tag) =	ssettag s2;
	_ =	strace s9  }
0x27: {  	s1 =	sld [smem:$0x3FA8]  }
0x28: {  	s2 =	sld [smem:$0x3FA9]  }
0x29: {  	s4 =	sld [smem:$0x3FAB]  }
0x2a: {  	p0 =	seq.s32 s5, $0x0;
	s5 =	sld [smem:$0x3FAC]  }
0x2b: {  	s6 =	sld [smem:$0x3FAD]  }
0x2c: {  	s7 =	sld [smem:$0x3FAE]  }
0x2d: {  	s3 =	simm.s32 $0x108;
	s8 =	sld [smem:$0x3FAF]  }
0x2e: {  	s3 =	simm.s32 @!p0 $0x1082;
	s9 =	sld [smem:$0x3FB0]  }
0x2f: {  	lr =	sadd.s32 s0, s3;
	s0 =	sld [smem:$0x3FA7]  }
0x30: {  	s3 =	sld [smem:$0x3FAA]  }
0x31: {  	[smem:$0x3FB3] =	sst s10  }
0x32: {  	s10 =	sld [smem:$0x3FB1];
	_ =	sdelay $0x3  }
0x33: {  	p0 =	seq.s32 s10, $0x1;
	s10 =	sld [smem:$0x3FB3];
	_ =	sdelay $0x3  }
0x34: {  	[smem:$0x3FB3] =	sst s10  }
0x35: {  	s10 =	sld [smem:$0x3FB2];
	_ =	sdelay $0x3  }
0x36: {  	p1 =	seq.s32 s10, $0x1;
	s10 =	sld [smem:$0x3FB3];
	_ =	sdelay $0x3  }
0x37: {  	[smem:$0x3FB3] =	sst s10  }
0x38: {  	s10 =	sld [smem:$0x3FB4]  }
0x39: {  	_ = 	snop;
	(pc) =	sbr.ind lr, $3  }
0x3a: {  	_ = 	snop  }
0x3b: {  	_ = 	snop  }
0x3c: {  	p2 =	seq.s32 s10, $0x1;
	s10 =	sld [smem:$0x3FB3]  }
0x3d: {  	_ =	shalt  }
0x3e: {  	_ =	shalt  }
0x3f: {  	_ =	shalt  }
0x40: {  	_ =	shalt  }
0x41: {  	_ =	shalt  }
0x42: {  	_ =	shalt  }
0x43: {  	_ =	shalt  }
0x44: {  	_ =	shalt  }
0x45: {  	_ =	shalt  }
0x46: {  	_ =	shalt  }
0x47: {  	_ =	shalt  }
0x48: {  	_ =	shalt  }
0x49: {  	_ =	shalt  }
0x4a: {  	_ =	shalt  }
0x4b: {  	_ =	shalt  }
0x4c: {  	_ =	shalt  }
0x4d: {  	_ =	shalt  }
0x4e: {  	_ =	shalt  }
0x4f: {  	_ =	shalt  }
0x50: {  	_ =	shalt  }
0x51: {  	_ =	shalt  }
0x52: {  	_ =	shalt  }
0x53: {  	_ =	shalt  }
0x54: {  	_ =	shalt  }
0x55: {  	_ =	shalt  }
0x56: {  	_ =	shalt  }
0x57: {  	_ =	shalt  }
0x58: {  	_ =	shalt  }
0x59: {  	_ =	shalt  }
0x5a: {  	_ =	shalt  }
0x5b: {  	_ =	shalt  }
0x5c: {  	_ =	shalt  }
0x5d: {  	_ =	shalt  }
0x5e: {  	_ =	shalt  }
0x5f: {  	_ =	shalt  }
0x60: {  	_ =	shalt  }
0x61: {  	_ =	shalt  }
0x62: {  	_ =	shalt  }
0x63: {  	_ =	shalt  }
0x64: {  	_ =	shalt  }
0x65: {  	_ =	shalt  }
0x66: {  	_ =	shalt  }
0x67: {  	_ =	shalt  }
0x68: {  	_ =	shalt  }
0x69: {  	_ =	shalt  }
0x6a: {  	_ =	shalt  }
0x6b: {  	_ =	shalt  }
0x6c: {  	_ =	shalt  }
0x6d: {  	_ =	shalt  }
0x6e: {  	_ =	shalt  }
0x6f: {  	_ =	shalt  }
0x70: {  	_ =	shalt  }
0x71: {  	_ =	shalt  }
0x72: {  	_ =	shalt  }
0x73: {  	_ =	shalt  }
0x74: {  	_ =	shalt  }
0x75: {  	_ =	shalt  }
0x76: {  	_ =	shalt  }
0x77: {  	_ =	shalt  }
0x78: {  	_ =	shalt  }
0x79: {  	_ =	shalt  }
0x7a: {  	_ =	shalt  }
0x7b: {  	_ =	shalt  }
0x7c: {  	_ =	shalt  }
0x7d: {  	_ =	shalt  }
0x7e: {  	_ =	shalt  }
0x7f: {  	_ =	shalt  }
0x80: {  	_ =	shalt  }
0x81: {  	_ =	shalt  }
0x82: {  	_ =	shalt  }
0x83: {  	_ =	shalt  }
0x84: {  	_ =	shalt  }
0x85: {  	_ =	shalt  }
0x86: {  	_ =	shalt  }
0x87: {  	_ =	shalt  }
.Lfunc_end0:
.L_simem_size_0:
called_computation.1_lowered:
.L_overlay_start_0:
0x88: {  	s2 =	sld [smem:$0x3FD9]  }
0x89: {  	s3 =	sld [smem:$0x3FFE];
	_ =	sdelay $0x1  }
0x8a: {  	s1 =	srdreg.scid  }
0x8b: {  	s0 =	sand.u32 $0x1, s1  }
0x8c: {  	s16 =	sshll.u32 s0, $0xA;
	s2 =	sadd.s32 s3, s2  }
0x8d: {  	s2 =	sadd.s32 s2, s16  }
0x8e: {  	[smem:$0x3FBF] =	sst s2  }
0x8f: {  	_ = 	snop  }
0x90: {  	(tm) =	ssettm $0x1  }
0x91: {  	s17 =	sld [smem:$0x3FFB];
	_ =	sdelay $0x3  }
0x92: {  	_ =	strace s17  }
0x93: {  	s2 =	sld [smem:$0x3FFC];
	_ =	sdelay $0x3  }
0x94: {  	_ =	strace s2  }
0x95: {  	s2 =	sld [smem:$0x3FFD];
	_ =	sdelay $0x3  }
0x96: {  	_ =	strace s2  }
0x97: {  	_ =	strace $0x8FFFFFFF  }
0x98: {  	s18 =	sld [smem:$0x3FDB];
	_ =	sdelay $0x1  }
0x99: {  	s19 =	simm.s32 $_scs_section_size  }
0x9a: {  	s4 =	simm.s32 $_size__tile_overlayer_lowered;
	s5 =	simm.s32 $_tile_overlayer_lowered  }
0x9b: {  	s22 =	simm.s32 $0x1BFF;
	s21 =	sshll.u32 s5, $0x1;
	s2 =	sadd.s32 s19, s18  }
0x9c: {  	s6 =	simm.s32 $0x0;
	s20 =	sshll.u32 s4, $0x1;
	s4 =	sadd.s32 s21, s2  }
0x9d: {  	[timem:s6], [sflag:s22] =	dma.local [hbm:s4], s20  }
0x9e: {  	_ =	swait.ge [sflag:s22], s20  }
0x9f: {  	s3 =	ssub.s32 $0x0, s20;
	[sflag:s22] =	ssyncset.done $0x0  }
0xa0: {  	[sflag:s22] =	ssyncadd.s32 s3;
	_ =	sdelay $0x1  }
0xa1: {  	s23 =	simm.s32 $0x1B8B  }
0xa2: {  	_ =	swait.ge [sflag:s23], $0x1  }
0xa3: {  	[sflag:s23] =	ssyncset.done $0x0  }
0xa4: {  	s25 =	simm.s32 $0x1B8E;
	s24 =	sld [smem:$0x3FFE];
	[sflag:s23] =	ssyncadd.s32 $0xFFFFFFFF  }
0xa5: {  	s26 =	simm.s32 $execute0_lowered;
	[smem:$0x3FD2] =	sst s25  }
0xa6: {  	s4 =	sshll.u32 s26, $0x1;
	_ =	strace $0x80000049;
	[dreg:$0x1] =	wrdreg $0xFFFFFFFF  }
0xa7: {  	s28 =	simm.s32 $_size_execute0_lowered;
	s2 =	sadd.s32 s2, s4;
	[dreg:$0x0] =	wrdreg $0x0  }
0xa8: {  	s4 =	sshll.u32 s28, $0x1;
	[dreg:$0x2] =	wrdreg s2  }
0xa9: {  	[dreg:$0x3] =	wrdreg s4  }
0xaa: {  	[dreg:$0x4] =	wrdreg $0xC0  }
0xab: {  	_ =	task [dreg:s6], $0x5FFFF  }
0xac: {  	[dreg:$0x1] =	wrdreg $0xFFFFFFFF  }
0xad: {  	[dreg:$0x0] =	wrdreg $0x60  }
0xae: {  	[dreg:$0x2] =	wrdreg s24  }
0xaf: {  	[dreg:$0x3] =	wrdreg $0x15F900  }
0xb0: {  	[dreg:$0x4] =	wrdreg $0x9  }
0xb1: {  	_ =	task.clear_ibuf [dreg:s6], $0x5FFFF;
	_ =	strace $0x90000049  }
0xb2: {  	s29 =	simm.s32 $0x9;
	_ =	strace $0x8000004B  }
0xb3: {  	_ =	swait.ge [sflag:s29], $0x1  }
0xb4: {  	[sflag:s29] =	ssyncadd.s32 $0xFFFFFFFF  }
0xb5: {  	_ =	strace $0x9000004B  }
0xb6: {  	_ =	sfence  }
0xb7: {  	s30 =	sld [smem:$0x0];
	_ =	sdelay $0x2  }
0xb8: {  	s31 =	sshll.u32 s1, $0xD;
	s1 =	sshrl.u32 s1, $0x2  }
0xb9: {  	s3 =	sand.u32 $0x4000, s31;
	s1 =	sadd.s32 s1, s30  }
0xba: {  	s0 =	sor.u32 s3, s0;
	s1 =	sshll.u32 s1, $0x11  }
0xbb: {  	s0 =	sor.u32 s1, s0  }
0xbc: {  	s0 =	sadd.s32 $0x8F2B, s0  }
0xbd: {  	[sflag:s0] =	ssyncadd.remote.s32 $0x1  }
0xbe: {  	_ =	sfence.sel $0xFFFF  }
0xbf: {  	[dreg:$0x0] =	wrdreg $0xFFFFFFFF;
	(pc) =	sbr.abs _section_cstart, $3  }
0xc0: {  	[dreg:$0x1] =	wrdreg $0xFFFFFFFF  }
0xc1: {  	_ =	task.clear_ibuf [dreg:s6], $0x2FFFF;
	_ =	strace $0x9FFFFFFF  }
0xc2: {  	(tm) =	ssettm $0x7FFFFFFF  }
0xc3: {  	_ =	shalt  }
tec
execute0_lowered:
.L_overlay_start_1:
0x0: {  	(tag) =	ssettag $0x1  }
0x1: {  	s16 =	rddreg [dreg:$0x0]  }
0x2: {  	s2 =	rddreg [dreg:$0x1]  }
0x3: {  	s0 =	rddreg [dreg:$0x2]  }
0x4: {  	s3 =	simm.s32 $0x0;
	s1 =	stileid.u32;
	s5 =	srdreg.scid  }
0x5: {  	[smem:$0x7FF] =	sst s3;
	s17 =	smul.u32 $0x2800, s1;
	s4 =	sadd.s32 $0x19600, s16  }
0x6: {  	s18 =	sand.u32 $0x1, s5;
	s26 =	sshll.u32 s1, $0x1;
	s28 =	sshll.u32 s1, $0x6  }
0x7: {  	_ =	strace $0x8000004A;
	s8 =	sor.u32 s18, s26;
	s6 =	sadd.s32 s17, s2  }
0x8: {  	s5 =	sor.u32 $0x1C02, s28;
	s7 =	sshrl.u32 s6, $0x3;
	s6 =	simm.s32 $0x2  }
0x9: {  	[spmem:s7], [sflag:s5] =	dma.local [hbm:s4], $0x500  }
0xa: {  	s14 =	smul.u32 $0x2710, s8;
	_ =	swait.ge [sflag:s6], $0x500  }
0xb: {  	[sflag:s6] =	ssyncset.done $0x0  }
0xc: {  	s15 =	sadd.s32 $0xA00, s16;
	s9 =	sshrl.u32 s14, $0x3;
	[sflag:s6] =	ssyncadd.s32 $0xFFFFFB00  }
0xd: {  	s8 =	sadd.s32 s15, s9;
	[bflag:$0x0] =	sbarrier.arrive $0xFFFF  }
0xe: {  	[tilespmem:s3], [sflag:$0x2] =	stream.linear.gather [hbm4b:s8+s3], $0x1388, $0x38;
	[tilespmem:$0x18790] =	vst v63  }
0xf: {  	_ =	swait.ge [sflag:s6], $0x1388  }
0x10: {  	s19 =	sadd.s32 $0xA800, s16;
	[sflag:s6] =	ssyncset.done $0x0  }
0x11: {  	s10 =	simm.s32 $0x1388;
	s9 =	sadd.s32 s19, s9;
	[sflag:s6] =	ssyncadd.s32 $0xFFFFEC78  }
0x12: {  	[tilespmem:s10], [sflag:$0x2] =	stream.linear.gather [hbm4b:s9+s3], $0x1388, $0x38;
	[tilespmem:$0x18790] =	vst v63  }
0x13: {  	_ =	swait.ge [sflag:s6], $0x1388  }
0x14: {  	s12 =	simm.s32 $0x2710;
	[sflag:s6] =	ssyncset.done $0x0  }
0x15: {  	s13 =	simm.s32 $0x1;
	s11 =	sadd.s32 $0x14600, s16;
	[sflag:s6] =	ssyncadd.s32 $0xFFFFEC78  }
0x16: {  	[tilespmem:s12], [sflag:$0x1] =	stream.indirect.gather [hbm4b:s11+s10], $0x10, s3, s10, $0xb8;
	[tilespmem:$0x18790] =	vst v63  }
0x17: {  	_ =	swait.ge [sflag:s13], $0x13880  }
0x18: {  	[sflag:s13] =	ssyncset.done $0x0  }
0x19: {  	[sflag:s13] =	ssyncadd.s32 $0xFFFEC780  }
0x1a: {  	[spmem:s2] =	stream.indirect.scatter.add.f32 [tilespmem:s12], [sflag:$0x2], $0x10, s10, s10, $0xb8;
	[tilespmem:$0x18790] =	vst v63  }
0x1b: {  	s14 =	sadd.s32 $0x1388, s14;
	_ =	swait.ge [sflag:s6], $0x13880  }
0x1c: {  	s20 =	sshrl.u32 s14, $0x3;
	[sflag:s6] =	ssyncset.done $0x0  }
0x1d: {  	s14 =	sadd.s32 s15, s20;
	[sflag:s6] =	ssyncadd.s32 $0xFFFEC780  }
0x1e: {  	[tilespmem:s3], [sflag:$0x2] =	stream.linear.gather [hbm4b:s14+s3], $0x1388, $0x38;
	[tilespmem:$0x18790] =	vst v63  }
0x1f: {  	_ =	swait.ge [sflag:s6], $0x1388  }
0x20: {  	[sflag:s6] =	ssyncset.done $0x0  }
0x21: {  	s15 =	sadd.s32 s19, s20;
	[sflag:s6] =	ssyncadd.s32 $0xFFFFEC78  }
0x22: {  	[tilespmem:s10], [sflag:$0x2] =	stream.linear.gather [hbm4b:s15+s3], $0x1388, $0x38;
	[tilespmem:$0x18790] =	vst v63  }
0x23: {  	_ =	swait.ge [sflag:s6], $0x1388  }
0x24: {  	[sflag:s6] =	ssyncset.done $0x0  }
0x25: {  	s29 =	smul.u32 $0x28000, s18;
	[sflag:s6] =	ssyncadd.s32 $0xFFFFEC78  }
0x26: {  	[tilespmem:s12], [sflag:$0x1] =	stream.indirect.gather [hbm4b:s11+s10], $0x10, s3, s10, $0xb8;
	[tilespmem:$0x18790] =	vst v63  }
0x27: {  	s18 =	ssub.s32 $0x2, s18;
	_ =	swait.ge [sflag:s13], $0x13880  }
0x28: {  	s30 =	sshrl.u32 s18, $0x1;
	s17 =	sadd.s32 s17, s29;
	[sflag:s13] =	ssyncset.done $0x0  }
0x29: {  	s31 =	ssub.s32 s18, s30;
	s17 =	sshrl.u32 s17, $0x3;
	[sflag:s13] =	ssyncadd.s32 $0xFFFEC780  }
0x2a: {  	[spmem:s2] =	stream.indirect.scatter.add.f32 [tilespmem:s12], [sflag:$0x2], $0x10, s10, s10, $0xb8;
	[tilespmem:$0x18790] =	vst v63  }
0x2b: {  	s16 =	sadd.s32 s17, s16;
	s17 =	smax.u32 s31, $0x1;
	_ =	swait.ge [sflag:s6], $0x13880  }
0x2c: {  	p0 =	sne.s32 s17, $0x1;
	[sflag:s6] =	ssyncset.done $0x0  }
.Ltmp0:
0x2d: {  	[sflag:s6] =	ssyncadd.s32 $0xFFFEC780;
	(pc) =	sbr.rel @!p0 .LBB2_2-.Ltmp0, $4  }
0x2e: {  	s16 =	sadd.s32 $0x19C00, s16;
	[bflag:$0x0] =	sbarrier.arrive $0xFFFF  }
0x2f: {  	[hbm:s16], [sflag:s5] =	dma.local [spmem:s7], $0x500  }
0x30: {  	_ =	swait.ge [sflag:s6], $0x500  }
0x31: {  	s17 =	sadd.s32 $0xFFFFFFFF, s17;
	[sflag:s6] =	ssyncset.done $0x0  }
.LBB2_1:
0x32: {  	p0 =	sne.s32 s17, $0x1;
	s17 =	sadd.s32 $0xFFFFFFFF, s17;
	[sflag:s6] =	ssyncadd.s32 $0xFFFFFB00  }
0x33: {  	[spmem:s7], [sflag:s5] =	dma.local [hbm:s4], $0x500  }
0x34: {  	_ =	swait.ge [sflag:s6], $0x500  }
0x35: {  	[sflag:s6] =	ssyncset.done $0x0  }
0x36: {  	[sflag:s6] =	ssyncadd.s32 $0xFFFFFB00  }
0x37: {  	[bflag:$0x0] =	sbarrier.arrive $0xFFFF  }
0x38: {  	[tilespmem:s3], [sflag:$0x2] =	stream.linear.gather [hbm4b:s8+s3], $0x1388, $0x38;
	[tilespmem:$0x18790] =	vst v63  }
0x39: {  	_ =	swait.ge [sflag:s6], $0x1388  }
0x3a: {  	[sflag:s6] =	ssyncset.done $0x0  }
0x3b: {  	[sflag:s6] =	ssyncadd.s32 $0xFFFFEC78  }
0x3c: {  	[tilespmem:s10], [sflag:$0x2] =	stream.linear.gather [hbm4b:s9+s3], $0x1388, $0x38;
	[tilespmem:$0x18790] =	vst v63  }
0x3d: {  	_ =	swait.ge [sflag:s6], $0x1388  }
0x3e: {  	[sflag:s6] =	ssyncset.done $0x0  }
0x3f: {  	[sflag:s6] =	ssyncadd.s32 $0xFFFFEC78  }
0x40: {  	[tilespmem:s12], [sflag:$0x1] =	stream.indirect.gather [hbm4b:s11+s10], $0x10, s3, s10, $0xb8;
	[tilespmem:$0x18790] =	vst v63  }
0x41: {  	_ =	swait.ge [sflag:s13], $0x13880  }
0x42: {  	[sflag:s13] =	ssyncset.done $0x0  }
0x43: {  	[sflag:s13] =	ssyncadd.s32 $0xFFFEC780  }
0x44: {  	[spmem:s2] =	stream.indirect.scatter.add.f32 [tilespmem:s12], [sflag:$0x2], $0x10, s10, s10, $0xb8;
	[tilespmem:$0x18790] =	vst v63  }
0x45: {  	_ =	swait.ge [sflag:s6], $0x13880  }
0x46: {  	[sflag:s6] =	ssyncset.done $0x0  }
0x47: {  	[sflag:s6] =	ssyncadd.s32 $0xFFFEC780  }
0x48: {  	[tilespmem:s3], [sflag:$0x2] =	stream.linear.gather [hbm4b:s14+s3], $0x1388, $0x38;
	[tilespmem:$0x18790] =	vst v63  }
0x49: {  	_ =	swait.ge [sflag:s6], $0x1388  }
0x4a: {  	[sflag:s6] =	ssyncset.done $0x0  }
0x4b: {  	[sflag:s6] =	ssyncadd.s32 $0xFFFFEC78  }
0x4c: {  	[tilespmem:s10], [sflag:$0x2] =	stream.linear.gather [hbm4b:s15+s3], $0x1388, $0x38;
	[tilespmem:$0x18790] =	vst v63  }
0x4d: {  	_ =	swait.ge [sflag:s6], $0x1388  }
0x4e: {  	[sflag:s6] =	ssyncset.done $0x0  }
0x4f: {  	[sflag:s6] =	ssyncadd.s32 $0xFFFFEC78  }
0x50: {  	[tilespmem:s12], [sflag:$0x1] =	stream.indirect.gather [hbm4b:s11+s10], $0x10, s3, s10, $0xb8;
	[tilespmem:$0x18790] =	vst v63  }
0x51: {  	_ =	swait.ge [sflag:s13], $0x13880  }
0x52: {  	[sflag:s13] =	ssyncset.done $0x0  }
0x53: {  	[sflag:s13] =	ssyncadd.s32 $0xFFFEC780  }
0x54: {  	[spmem:s2] =	stream.indirect.scatter.add.f32 [tilespmem:s12], [sflag:$0x2], $0x10, s10, s10, $0xb8;
	[tilespmem:$0x18790] =	vst v63  }
0x55: {  	_ =	swait.ge [sflag:s6], $0x13880  }
0x56: {  	[sflag:s6] =	ssyncset.done $0x0  }
.Ltmp1:
0x57: {  	[sflag:s6] =	ssyncadd.s32 $0xFFFEC780;
	(pc) =	sbr.rel @p0 .LBB2_1-.Ltmp1, $4  }
0x58: {  	[bflag:$0x0] =	sbarrier.arrive $0xFFFF  }
0x59: {  	[hbm:s16], [sflag:s5] =	dma.local [spmem:s7], $0x500  }
0x5a: {  	_ =	swait.ge [sflag:s6], $0x500  }
0x5b: {  	[sflag:s6] =	ssyncset.done $0x0  }
.LBB2_2:
0x5c: {  	[sflag:s6] =	ssyncadd.s32 $0xFFFFFB00  }
0x5d: {  	_ =	sfence.sel $0x180000  }
0x5e: {  	[bflag:$0x0] =	sbarrier.arrive $0xFFFF  }
0x5f: {  	p0 =	sne.s32 s1, $0x0;
	_ =	strace $0x9000004A  }
0x60: {  	s0 =	sadd.s32 @!p0 $0x100000, s0;
	[bflag:$0x2] =	sbarrier.arrive $0xFFFF  }
0x61: {  	[sflag:s0] =	ssyncadd.tile.s32 @!p0 $0x1;
	_ =	shalt  }
.Lfunc_end2:
_tile_overlayer_lowered:
.L_overlay_start_2:
0x62: {  	(tag) =	ssettag $0x2  }
0x63: {  	s0 =	rddreg [dreg:$0x0];
	s2 =	stileid.u32  }
0x64: {  	s1 =	rddreg [dreg:$0x1];
	p0 =	sne.s32 s2, $0x0  }
0x65: {  	s3 =	rddreg [dreg:$0x2];
	[bflag:$0x3] =	sbarrier.arrive $0xFFFF;
	s2 =	simm.s32 @!p0 $0x1C02  }
0x66: {  	[timem:s3], [sflag:s2] =	dma.local @!p0 [hbm:s0], s1  }
0x67: {  	s0 =	simm.s32 @!p0 $0x2  }
0x68: {  	_ =	swait.ge @!p0 [sflag:s0], s1  }
0x69: {  	s1 =	ssub.s32 @!p0 $0x0, s1;
	[sflag:s0] =	ssyncset.done @!p0 $0x0  }
0x6a: {  	[sflag:s0] =	ssyncadd.s32 @!p0 s1  }
0x6b: {  	[bflag:$0x3] =	sbarrier.arrive $0xFFFF  }
0x6c: {  	_ =	shalt  }

// kernel: kernel.16.cloned.1.call-start
scs
__scs_entry_jumppad:
0x0: {  	(pc) =	sbr.rel $0x88, $3  }
0x1: {  	(tag) =	ssettag $0x0;
	lr =	simm.s32 $0x1  }
0x2: {  	[smem:$0x3F98] =	sst lr;
	_ =	strace $0xD0000000  }
0x3: {  	_ = 	snop  }
0x4: {  	_ = 	snop  }
0x5: {  	_ = 	snop  }
0x6: {  	_ = 	snop  }
0x7: {  	_ = 	snop  }
__scs_overlays_trampoline_lowered:
0x8: {  	[smem:$0x3FA7] =	sst s0  }
0x9: {  	[smem:$0x3FA8] =	sst s1  }
0xa: {  	[smem:$0x3FA9] =	sst s2  }
0xb: {  	[smem:$0x3FAA] =	sst s3  }
0xc: {  	[smem:$0x3FAB] =	sst s4  }
0xd: {  	[smem:$0x3FAC] =	sst s5  }
0xe: {  	[smem:$0x3FAD] =	sst s6  }
0xf: {  	[smem:$0x3FAE] =	sst s7  }
0x10: {  	[smem:$0x3FAF] =	sst s8  }
0x11: {  	[smem:$0x3FB0] =	sst s9;
	s0 =	simm.s32 @!p0 $0x0  }
0x12: {  	s1 =	sld [smem:$0x3F96];
	s0 =	simm.s32 @p0 $0x1  }
0x13: {  	[smem:$0x3FB1] =	sst s0;
	s0 =	simm.s32 @!p1 $0x0  }
0x14: {  	s2 =	sld [smem:$0x3F95];
	s0 =	simm.s32 @p1 $0x1  }
0x15: {  	[smem:$0x3FB2] =	sst s0;
	s0 =	simm.s32 @!p2 $0x0  }
0x16: {  	s3 =	sld [smem:$0x3FDB];
	s0 =	simm.s32 @p2 $0x1  }
0x17: {  	s4 =	simm.s32 $0x1BF5;
	[smem:$0x3FB4] =	sst s0  }
0x18: {  	s0 =	sld [smem:$0x3F97];
	_ =	swait.ge [sflag:s4], $0x0  }
0x19: {  	s7 =	sld [smem:$0x3F98]  }
0x1a: {  	s8 =	sadd.s32 $0xFFFFE003, lr  }
0x1b: {  	s9 =	sadd.s32 $0xFFFFFEF7, lr;
	s5 =	simm.s32 $0xFFFFFFFF;
	p2 =	slt.u32 s8, $0xFFFFF086  }
0x1c: {  	p1 =	slt.u32 s9, $0xF7A;
	s5 =	simm.s32 @!p2 $0x0  }
0x1d: {  	s5 =	simm.s32 @p1 $0x1;
	p0 =	seq.s32 s7, s2  }
0x1e: {  	s7 =	smul.u32 @!p0 $0xF7A, s2;
	p2 =	seq.s32 @!p0 s5, $0x0  }
0x1f: {  	s9 =	smul.u32 $0xF7A, s1;
	s8 =	simm.s32 @!p0 $0x1BF5;
	p2 =	por !p2, p0  }
0x20: {  	[sflag:s8] =	ssyncset.s32 @!p0 $0xFFFFF086;
	s6 =	sadd.s32 @!p0 s3, s7;
	s7 =	simm.s32 @!p0 $0x108  }
0x21: {  	s3 =	sadd.s32 s3, s9;
	s6 =	sadd.s32 @!p0 $0x88, s6;
	s7 =	simm.s32 @p2 $0x1082  }
0x22: {  	[simem:s7], [sflag:s8] =	dma.local @!p0 [hbm:s6], $0xF7A  }
0x23: {  	s9 =	sor.u32 $0xD0000000, s2;
	s6 =	simm.s32 $0x108;
	_ =	swait.ge @!p0 [sflag:s8], $0x0  }
0x24: {  	s3 =	sadd.s32 $0x88, s3;
	s6 =	simm.s32 @!p1 $0x1082;
	[sflag:s4] =	ssyncset.s32 $0xFFFFF086  }
0x25: {  	[simem:s6], [sflag:s4] =	dma.local [hbm:s3], $0xF7A  }
0x26: {  	[smem:$0x3F98] =	sst s1;
	(tag) =	ssettag s2;
	_ =	strace s9  }
0x27: {  	s1 =	sld [smem:$0x3FA8]  }
0x28: {  	s2 =	sld [smem:$0x3FA9]  }
0x29: {  	s4 =	sld [smem:$0x3FAB]  }
0x2a: {  	p0 =	seq.s32 s5, $0x0;
	s5 =	sld [smem:$0x3FAC]  }
0x2b: {  	s6 =	sld [smem:$0x3FAD]  }
0x2c: {  	s7 =	sld [smem:$0x3FAE]  }
0x2d: {  	s3 =	simm.s32 $0x108;
	s8 =	sld [smem:$0x3FAF]  }
0x2e: {  	s3 =	simm.s32 @!p0 $0x1082;
	s9 =	sld [smem:$0x3FB0]  }
0x2f: {  	lr =	sadd.s32 s0, s3;
	s0 =	sld [smem:$0x3FA7]  }
0x30: {  	s3 =	sld [smem:$0x3FAA]  }
0x31: {  	[smem:$0x3FB3] =	sst s10  }
0x32: {  	s10 =	sld [smem:$0x3FB1];
	_ =	sdelay $0x3  }
0x33: {  	p0 =	seq.s32 s10, $0x1;
	s10 =	sld [smem:$0x3FB3];
	_ =	sdelay $0x3  }
0x34: {  	[smem:$0x3FB3] =	sst s10  }
0x35: {  	s10 =	sld [smem:$0x3FB2];
	_ =	sdelay $0x3  }
0x36: {  	p1 =	seq.s32 s10, $0x1;
	s10 =	sld [smem:$0x3FB3];
	_ =	sdelay $0x3  }
0x37: {  	[smem:$0x3FB3] =	sst s10  }
0x38: {  	s10 =	sld [smem:$0x3FB4]  }
0x39: {  	_ = 	snop;
	(pc) =	sbr.ind lr, $3  }
0x3a: {  	_ = 	snop  }
0x3b: {  	_ = 	snop  }
0x3c: {  	p2 =	seq.s32 s10, $0x1;
	s10 =	sld [smem:$0x3FB3]  }
0x3d: {  	_ =	shalt  }
0x3e: {  	_ =	shalt  }
0x3f: {  	_ =	shalt  }
0x40: {  	_ =	shalt  }
0x41: {  	_ =	shalt  }
0x42: {  	_ =	shalt  }
0x43: {  	_ =	shalt  }
0x44: {  	_ =	shalt  }
0x45: {  	_ =	shalt  }
0x46: {  	_ =	shalt  }
0x47: {  	_ =	shalt  }
0x48: {  	_ =	shalt  }
0x49: {  	_ =	shalt  }
0x4a: {  	_ =	shalt  }
0x4b: {  	_ =	shalt  }
0x4c: {  	_ =	shalt  }
0x4d: {  	_ =	shalt  }
0x4e: {  	_ =	shalt  }
0x4f: {  	_ =	shalt  }
0x50: {  	_ =	shalt  }
0x51: {  	_ =	shalt  }
0x52: {  	_ =	shalt  }
0x53: {  	_ =	shalt  }
0x54: {  	_ =	shalt  }
0x55: {  	_ =	shalt  }
0x56: {  	_ =	shalt  }
0x57: {  	_ =	shalt  }
0x58: {  	_ =	shalt  }
0x59: {  	_ =	shalt  }
0x5a: {  	_ =	shalt  }
0x5b: {  	_ =	shalt  }
0x5c: {  	_ =	shalt  }
0x5d: {  	_ =	shalt  }
0x5e: {  	_ =	shalt  }
0x5f: {  	_ =	shalt  }
0x60: {  	_ =	shalt  }
0x61: {  	_ =	shalt  }
0x62: {  	_ =	shalt  }
0x63: {  	_ =	shalt  }
0x64: {  	_ =	shalt  }
0x65: {  	_ =	shalt  }
0x66: {  	_ =	shalt  }
0x67: {  	_ =	shalt  }
0x68: {  	_ =	shalt  }
0x69: {  	_ =	shalt  }
0x6a: {  	_ =	shalt  }
0x6b: {  	_ =	shalt  }
0x6c: {  	_ =	shalt  }
0x6d: {  	_ =	shalt  }
0x6e: {  	_ =	shalt  }
0x6f: {  	_ =	shalt  }
0x70: {  	_ =	shalt  }
0x71: {  	_ =	shalt  }
0x72: {  	_ =	shalt  }
0x73: {  	_ =	shalt  }
0x74: {  	_ =	shalt  }
0x75: {  	_ =	shalt  }
0x76: {  	_ =	shalt  }
0x77: {  	_ =	shalt  }
0x78: {  	_ =	shalt  }
0x79: {  	_ =	shalt  }
0x7a: {  	_ =	shalt  }
0x7b: {  	_ =	shalt  }
0x7c: {  	_ =	shalt  }
0x7d: {  	_ =	shalt  }
0x7e: {  	_ =	shalt  }
0x7f: {  	_ =	shalt  }
0x80: {  	_ =	shalt  }
0x81: {  	_ =	shalt  }
0x82: {  	_ =	shalt  }
0x83: {  	_ =	shalt  }
0x84: {  	_ =	shalt  }
0x85: {  	_ =	shalt  }
0x86: {  	_ =	shalt  }
0x87: {  	_ =	shalt  }
.Lfunc_end0:
.L_simem_size_0:
called_computation.2_lowered:
.L_overlay_start_0:
0x88: {  	s2 =	sld [smem:$0x3FD9]  }
0x89: {  	s3 =	sld [smem:$0x3FFE];
	_ =	sdelay $0x1  }
0x8a: {  	s1 =	srdreg.scid  }
0x8b: {  	s0 =	sand.u32 $0x1, s1  }
0x8c: {  	s16 =	sshll.u32 s0, $0xA;
	s2 =	sadd.s32 s3, s2  }
0x8d: {  	s2 =	sadd.s32 s2, s16  }
0x8e: {  	[smem:$0x3FBF] =	sst s2  }
0x8f: {  	_ = 	snop  }
0x90: {  	(tm) =	ssettm $0x1  }
0x91: {  	s17 =	sld [smem:$0x3FFB];
	_ =	sdelay $0x3  }
0x92: {  	_ =	strace s17  }
0x93: {  	s2 =	sld [smem:$0x3FFC];
	_ =	sdelay $0x3  }
0x94: {  	_ =	strace s2  }
0x95: {  	s2 =	sld [smem:$0x3FFD];
	_ =	sdelay $0x3  }
0x96: {  	_ =	strace s2  }
0x97: {  	_ =	strace $0x8FFFFFFF  }
0x98: {  	s18 =	sld [smem:$0x3FDB];
	_ =	sdelay $0x1  }
0x99: {  	s19 =	simm.s32 $_scs_section_size  }
0x9a: {  	s4 =	simm.s32 $_size__tile_overlayer_lowered;
	s5 =	simm.s32 $_tile_overlayer_lowered  }
0x9b: {  	s22 =	simm.s32 $0x1BFF;
	s21 =	sshll.u32 s5, $0x1;
	s2 =	sadd.s32 s19, s18  }
0x9c: {  	s6 =	simm.s32 $0x0;
	s20 =	sshll.u32 s4, $0x1;
	s4 =	sadd.s32 s21, s2  }
0x9d: {  	[timem:s6], [sflag:s22] =	dma.local [hbm:s4], s20  }
0x9e: {  	_ =	swait.ge [sflag:s22], s20  }
0x9f: {  	s3 =	ssub.s32 $0x0, s20;
	[sflag:s22] =	ssyncset.done $0x0  }
0xa0: {  	[sflag:s22] =	ssyncadd.s32 s3;
	_ =	sdelay $0x1  }
0xa1: {  	s23 =	simm.s32 $0x1B8B  }
0xa2: {  	_ =	swait.ge [sflag:s23], $0x1  }
0xa3: {  	[sflag:s23] =	ssyncset.done $0x0  }
0xa4: {  	s25 =	simm.s32 $0x1B8E;
	s24 =	sld [smem:$0x3FFE];
	[sflag:s23] =	ssyncadd.s32 $0xFFFFFFFF  }
0xa5: {  	s26 =	simm.s32 $execute0_lowered;
	[smem:$0x3FD2] =	sst s25  }
0xa6: {  	s4 =	sshll.u32 s26, $0x1;
	_ =	strace $0x8000004C;
	[dreg:$0x1] =	wrdreg $0xFFFFFFFF  }
0xa7: {  	s28 =	simm.s32 $_size_execute0_lowered;
	s2 =	sadd.s32 s2, s4;
	[dreg:$0x0] =	wrdreg $0x0  }
0xa8: {  	s4 =	sshll.u32 s28, $0x1;
	[dreg:$0x2] =	wrdreg s2  }
0xa9: {  	[dreg:$0x3] =	wrdreg s4  }
0xaa: {  	[dreg:$0x4] =	wrdreg $0xC0  }
0xab: {  	_ =	task [dreg:s6], $0x5FFFF  }
0xac: {  	[dreg:$0x1] =	wrdreg $0xFFFFFFFF  }
0xad: {  	[dreg:$0x0] =	wrdreg $0x60  }
0xae: {  	[dreg:$0x2] =	wrdreg s24  }
0xaf: {  	[dreg:$0x3] =	wrdreg $0x186A00  }
0xb0: {  	[dreg:$0x4] =	wrdreg $0x9  }
0xb1: {  	_ =	task.clear_ibuf [dreg:s6], $0x5FFFF;
	_ =	strace $0x9000004C  }
0xb2: {  	s29 =	simm.s32 $0x9;
	_ =	strace $0x8000004E  }
0xb3: {  	_ =	swait.ge [sflag:s29], $0x1  }
0xb4: {  	[sflag:s29] =	ssyncadd.s32 $0xFFFFFFFF  }
0xb5: {  	_ =	strace $0x9000004E  }
0xb6: {  	_ =	sfence  }
0xb7: {  	s30 =	sld [smem:$0x0];
	_ =	sdelay $0x2  }
0xb8: {  	s31 =	sshll.u32 s1, $0xD;
	s1 =	sshrl.u32 s1, $0x2  }
0xb9: {  	s3 =	sand.u32 $0x4000, s31;
	s1 =	sadd.s32 s1, s30  }
0xba: {  	s0 =	sor.u32 s3, s0;
	s1 =	sshll.u32 s1, $0x11  }
0xbb: {  	s0 =	sor.u32 s1, s0  }
0xbc: {  	s0 =	sadd.s32 $0x8F2B, s0  }
0xbd: {  	[sflag:s0] =	ssyncadd.remote.s32 $0x1  }
0xbe: {  	_ =	sfence.sel $0xFFFF  }
0xbf: {  	[dreg:$0x0] =	wrdreg $0xFFFFFFFF;
	(pc) =	sbr.abs _section_cstart, $3  }
0xc0: {  	[dreg:$0x1] =	wrdreg $0xFFFFFFFF  }
0xc1: {  	_ =	task.clear_ibuf [dreg:s6], $0x2FFFF;
	_ =	strace $0x9FFFFFFF  }
0xc2: {  	(tm) =	ssettm $0x7FFFFFFF  }
0xc3: {  	_ =	shalt  }
tec
execute0_lowered:
.L_overlay_start_1:
0x0: {  	(tag) =	ssettag $0x1  }
0x1: {  	s14 =	rddreg [dreg:$0x0]  }
0x2: {  	s2 =	rddreg [dreg:$0x1]  }
0x3: {  	s0 =	rddreg [dreg:$0x2]  }
0x4: {  	s3 =	simm.s32 $0x0;
	s4 =	srdreg.scid;
	s1 =	stileid.u32  }
0x5: {  	[smem:$0x7FF] =	sst s3;
	s15 =	sand.u32 $0x1, s4;
	s16 =	smul.u32 $0x1400, s1  }
0x6: {  	s30 =	sshll.u32 s1, $0x1;
	s4 =	sadd.s32 $0x16E00, s14;
	s5 =	sshll.u32 s1, $0x6  }
0x7: {  	_ =	strace $0x8000004D;
	s8 =	sor.u32 s15, s30;
	s6 =	sadd.s32 s16, s2  }
0x8: {  	s5 =	sor.u32 $0x1C02, s5;
	s7 =	sshrl.u32 s6, $0x3;
	s6 =	simm.s32 $0x2  }
0x9: {  	[spmem:s7], [sflag:s5] =	dma.local [hbm:s4], $0x280  }
0xa: {  	s8 =	smul.u32 $0x4E2, s8;
	_ =	swait.ge [sflag:s6], $0x280  }
0xb: {  	[sflag:s6] =	ssyncset.done $0x0  }
0xc: {  	s9 =	sadd.s32 s8, s14;
	[sflag:s6] =	ssyncadd.s32 $0xFFFFFD80  }
0xd: {  	s8 =	sadd.s32 $0xA00, s9;
	[bflag:$0x0] =	sbarrier.arrive $0xFFFF  }
0xe: {  	[tilespmem:s3], [sflag:$0x2] =	stream.linear.gather [hbm4b:s8+s3], $0x2710, $0x38;
	[tilespmem:$0x19AA0] =	vst v63  }
0xf: {  	_ =	swait.ge [sflag:s6], $0x2710  }
0x10: {  	[sflag:s6] =	ssyncset.done $0x0  }
0x11: {  	s10 =	simm.s32 $0x2710;
	s9 =	sadd.s32 $0xA800, s9;
	[sflag:s6] =	ssyncadd.s32 $0xFFFFD8F0  }
0x12: {  	[tilespmem:s10], [sflag:$0x2] =	stream.linear.gather [hbm4b:s9+s3], $0x2710, $0x38;
	[tilespmem:$0x19AA0] =	vst v63  }
0x13: {  	_ =	swait.ge [sflag:s6], $0x2710  }
0x14: {  	s12 =	simm.s32 $0x4E20;
	[sflag:s6] =	ssyncset.done $0x0  }
0x15: {  	s13 =	simm.s32 $0x1;
	s11 =	sadd.s32 $0x14600, s14;
	[sflag:s6] =	ssyncadd.s32 $0xFFFFD8F0  }
0x16: {  	[tilespmem:s12], [sflag:$0x1] =	stream.indirect.gather [hbm4b:s11+s10], $0x8, s3, s10, $0xb8;
	[tilespmem:$0x19AA0] =	vst v63  }
0x17: {  	s17 =	smul.u32 $0x14000, s15;
	s15 =	ssub.s32 $0x2, s15;
	_ =	swait.ge [sflag:s13], $0x13880  }
0x18: {  	s31 =	sshrl.u32 s15, $0x1;
	[sflag:s13] =	ssyncset.done $0x0  }
0x19: {  	s15 =	ssub.s32 s15, s31;
	[sflag:s13] =	ssyncadd.s32 $0xFFFEC780  }
0x1a: {  	[spmem:s2] =	stream.indirect.scatter.add.f32 [tilespmem:s12], [sflag:$0x2], $0x8, s10, s10, $0xb8;
	[tilespmem:$0x19AA0] =	vst v63  }
0x1b: {  	s16 =	sadd.s32 s16, s17;
	s15 =	smax.u32 s15, $0x1;
	_ =	swait.ge [sflag:s6], $0x13880  }
0x1c: {  	s16 =	sshrl.u32 s16, $0x3;
	p0 =	sne.s32 s15, $0x1;
	[sflag:s6] =	ssyncset.done $0x0  }
.Ltmp0:
0x1d: {  	s14 =	sadd.s32 s16, s14;
	[sflag:s6] =	ssyncadd.s32 $0xFFFEC780;
	(pc) =	sbr.rel @!p0 .LBB2_2-.Ltmp0, $4  }
0x1e: {  	s14 =	sadd.s32 $0x17200, s14;
	[bflag:$0x0] =	sbarrier.arrive $0xFFFF  }
0x1f: {  	[hbm:s14], [sflag:s5] =	dma.local [spmem:s7], $0x280  }
0x20: {  	_ =	swait.ge [sflag:s6], $0x280  }
0x21: {  	s15 =	sadd.s32 $0xFFFFFFFF, s15;
	[sflag:s6] =	ssyncset.done $0x0  }
.LBB2_1:
0x22: {  	p0 =	sne.s32 s15, $0x1;
	s15 =	sadd.s32 $0xFFFFFFFF, s15;
	[sflag:s6] =	ssyncadd.s32 $0xFFFFFD80  }
0x23: {  	[spmem:s7], [sflag:s5] =	dma.local [hbm:s4], $0x280  }
0x24: {  	_ =	swait.ge [sflag:s6], $0x280  }
0x25: {  	[sflag:s6] =	ssyncset.done $0x0  }
0x26: {  	[sflag:s6] =	ssyncadd.s32 $0xFFFFFD80  }
0x27: {  	[bflag:$0x0] =	sbarrier.arrive $0xFFFF  }
0x28: {  	[tilespmem:s3], [sflag:$0x2] =	stream.linear.gather [hbm4b:s8+s3], $0x2710, $0x38;
	[tilespmem:$0x19AA0] =	vst v63  }
0x29: {  	_ =	swait.ge [sflag:s6], $0x2710  }
0x2a: {  	[sflag:s6] =	ssyncset.done $0x0  }
0x2b: {  	[sflag:s6] =	ssyncadd.s32 $0xFFFFD8F0  }
0x2c: {  	[tilespmem:s10], [sflag:$0x2] =	stream.linear.gather [hbm4b:s9+s3], $0x2710, $0x38;
	[tilespmem:$0x19AA0] =	vst v63  }
0x2d: {  	_ =	swait.ge [sflag:s6], $0x2710  }
0x2e: {  	[sflag:s6] =	ssyncset.done $0x0  }
0x2f: {  	[sflag:s6] =	ssyncadd.s32 $0xFFFFD8F0  }
0x30: {  	[tilespmem:s12], [sflag:$0x1] =	stream.indirect.gather [hbm4b:s11+s10], $0x8, s3, s10, $0xb8;
	[tilespmem:$0x19AA0] =	vst v63  }
0x31: {  	_ =	swait.ge [sflag:s13], $0x13880  }
0x32: {  	[sflag:s13] =	ssyncset.done $0x0  }
0x33: {  	[sflag:s13] =	ssyncadd.s32 $0xFFFEC780  }
0x34: {  	[spmem:s2] =	stream.indirect.scatter.add.f32 [tilespmem:s12], [sflag:$0x2], $0x8, s10, s10, $0xb8;
	[tilespmem:$0x19AA0] =	vst v63  }
0x35: {  	_ =	swait.ge [sflag:s6], $0x13880  }
0x36: {  	[sflag:s6] =	ssyncset.done $0x0  }
.Ltmp1:
0x37: {  	[sflag:s6] =	ssyncadd.s32 $0xFFFEC780;
	(pc) =	sbr.rel @p0 .LBB2_1-.Ltmp1, $4  }
0x38: {  	[bflag:$0x0] =	sbarrier.arrive $0xFFFF  }
0x39: {  	[hbm:s14], [sflag:s5] =	dma.local [spmem:s7], $0x280  }
0x3a: {  	_ =	swait.ge [sflag:s6], $0x280  }
0x3b: {  	[sflag:s6] =	ssyncset.done $0x0  }
.LBB2_2:
0x3c: {  	[sflag:s6] =	ssyncadd.s32 $0xFFFFFD80  }
0x3d: {  	_ =	sfence.sel $0x180000  }
0x3e: {  	[bflag:$0x0] =	sbarrier.arrive $0xFFFF  }
0x3f: {  	p0 =	sne.s32 s1, $0x0;
	_ =	strace $0x9000004D  }
0x40: {  	s0 =	sadd.s32 @!p0 $0x100000, s0;
	[bflag:$0x2] =	sbarrier.arrive $0xFFFF  }
0x41: {  	[sflag:s0] =	ssyncadd.tile.s32 @!p0 $0x1;
	_ =	shalt  }
.Lfunc_end2:
_tile_overlayer_lowered:
.L_overlay_start_2:
0x42: {  	(tag) =	ssettag $0x2  }
0x43: {  	s0 =	rddreg [dreg:$0x0];
	s2 =	stileid.u32  }
0x44: {  	s1 =	rddreg [dreg:$0x1];
	p0 =	sne.s32 s2, $0x0  }
0x45: {  	s3 =	rddreg [dreg:$0x2];
	[bflag:$0x3] =	sbarrier.arrive $0xFFFF;
	s2 =	simm.s32 @!p0 $0x1C02  }
0x46: {  	[timem:s3], [sflag:s2] =	dma.local @!p0 [hbm:s0], s1  }
0x47: {  	s0 =	simm.s32 @!p0 $0x2  }
0x48: {  	_ =	swait.ge @!p0 [sflag:s0], s1  }
0x49: {  	s1 =	ssub.s32 @!p0 $0x0, s1;
	[sflag:s0] =	ssyncset.done @!p0 $0x0  }
0x4a: {  	[sflag:s0] =	ssyncadd.s32 @!p0 s1  }
0x4b: {  	[bflag:$0x3] =	sbarrier.arrive $0xFFFF  }
0x4c: {  	_ =	shalt  }

</sc_bundles>
